<compile_context>
chip_gen: v7x
topology: tpu7x:2x2x1
jax: 0.10.2.dev20260603
libtpu: 0.0.44.dev20260713+nightly
codegen_flags: <defaults>
</compile_context>

<pallas_src>
import functools

import jax
import jax.numpy as jnp
from jax import lax
from jax.experimental import pallas as pl
from jax.experimental.pallas import tpu as pltpu
from jax.experimental.pallas import tpu_sc as plsc

_ALPHA = 0.01
_NC = 2
_NS = 16
_NW = _NC * _NS
_ICH = 128


def _sc_row_update(table_ref, x, idx3d):
  b, d = x.shape
  bpw = b // _NW
  kch = bpw // _ICH

  @functools.partial(
      pl.kernel,
      out_type=jax.ShapeDtypeStruct((_NW, 16), jnp.float32),
      mesh=plsc.VectorSubcoreMesh(core_axis_name="c", subcore_axis_name="s"),
      compiler_params=pltpu.CompilerParams(use_tc_tiling_on_sc=False),
      scratch_types=[
          pltpu.VMEM((kch, _ICH), jnp.int32),
          pltpu.VMEM((bpw, d), jnp.float32),
          pltpu.VMEM((bpw, d), jnp.float32),
          pltpu.VMEM((16,), jnp.float32),
          pltpu.SemaphoreType.DMA,
          pltpu.SemaphoreType.DMA,
      ],
  )
  def k(x_hbm, idx_hbm, table_hbm, lossp_hbm,
        idx_v, rows_v, xb_v, lacc_v, gsem, xsem):
    wid = lax.axis_index("s") * _NC + lax.axis_index("c")
    base = pl.multiple_of(wid * bpw, bpw)
    lacc_v[...] = jnp.zeros((16,), jnp.float32)

    pltpu.sync_copy(idx_hbm.at[wid], idx_v)
    cps = [
        pltpu.async_copy(table_hbm.at[idx_v.at[c]],
                         rows_v.at[pl.ds(c * _ICH, _ICH)], gsem)
        for c in range(kch)
    ]
    cpx = pltpu.async_copy(x_hbm.at[pl.ds(base, bpw)], xb_v, xsem)
    for cp in cps:
      cp.wait()
    cpx.wait()

    def patchbody(s, _):
      for q in range(d // 16):
        sl = pl.ds(q * 16, 16)
        c0 = rows_v[s, sl]
        xv = xb_v[s, sl]
        df = xv - c0
        lacc_v[...] = lacc_v[...] + df * df
        rows_v[s, sl] = c0 + df * _ALPHA
      return 0

    lax.fori_loop(0, bpw, patchbody, 0)

    scs = [
        pltpu.async_copy(rows_v.at[pl.ds(c * _ICH, _ICH)],
                         table_hbm.at[idx_v.at[c]], gsem)
        for c in range(kch)
    ]
    for sc in scs:
      sc.wait()

    pltpu.sync_copy(lacc_v, lossp_hbm.at[wid])

  return k(x, idx3d, table_ref)


def _tc_loss_sum(lossp):
  def body(in_ref, out_ref):
    out_ref[0, 0] = jnp.sum(in_ref[...])

  return pl.pallas_call(
      body,
      out_specs=pl.BlockSpec(memory_space=pltpu.SMEM),
      out_shape=jax.ShapeDtypeStruct((1, 1), jnp.float32),
  )(lossp)


def kernel(x, labels, centers):
  b, d = x.shape
  labels32 = labels.astype(jnp.int32)
  idx3d = labels32.reshape(_NW, (b // _NW) // _ICH, _ICH)
  ref = jax.new_ref(centers)
  lossp = _sc_row_update(ref, x, idx3d)
  loss2d = _tc_loss_sum(lossp)
  return loss2d[0, 0], ref[...]

# --- scband reference (transcript-rebuilt; emitter-appended) ---
"""Pipeline reference for scband-center-loss-17239998726542 (READ-ONLY COPY).

The authoritative reference and input builder live on the scoring server;
editing this copy changes nothing except your own understanding.
"""

import jax, jax.numpy as jnp
import numpy as np

NUM_CLASSES = 1000000
FEAT_DIM = 64
ALPHA = 0.01
BATCH = 16384


def setup_inputs(seed: int = 0) -> dict:
    key = jax.random.key(seed)
    k1, k2, k3 = jax.random.split(key, 3)
    x = jax.random.normal(k1, (BATCH, FEAT_DIM), dtype=jnp.float32)
    labels = jax.random.randint(k2, (BATCH,), 0, NUM_CLASSES, dtype=jnp.int64 if jax.config.jax_enable_x64 else jnp.int32)
    centers = jax.random.normal(k3, (NUM_CLASSES, FEAT_DIM), dtype=jnp.float32)
    centers = centers / jnp.clip(jnp.linalg.norm(centers, axis=1, keepdims=True), 1e-12, None)
    return {"x": x, "labels": labels, "centers": centers}


def reference(x, labels, centers):
    # gather: batch_centers = centers[labels]  (detached / no_grad in torch)
    batch_centers = jnp.take(centers, labels, axis=0)
    diff = x - batch_centers
    # in-place center update: centers.index_add_(0, labels, diff, alpha=ALPHA)
    new_centers = centers.at[labels].add(ALPHA * diff)
    loss = jnp.sum(diff ** 2)
    return loss, new_centers

if __name__ == "__main__":
    import jax
    _d = setup_inputs()
    print(jax.jit(kernel)(*tuple(_d.values())))

</pallas_src>

<mosaic_0001>
#map = affine_map<(d0, d1) -> (0, 0)>
#map1 = affine_map<(d0, d1) -> (0, 0, 0)>
module attributes {stable_mosaic.version = 14 : i64} {
  func.func @new_body(%arg0: i32, %arg1: i32, %arg2: memref<16384x64xf32, #tpu.memory_space<hbm>>, %arg3: memref<32x4x128xi32, #tpu.memory_space<hbm>>, %arg4: memref<1000000x64xf32, #tpu.memory_space<hbm>>, %arg5: memref<32x16xf32, #tpu.memory_space<hbm>>, %arg6: memref<1000000x64xf32, #tpu.memory_space<hbm>>, %arg7: memref<4x128xi32, #tpu.memory_space<vmem>>, %arg8: memref<512x64xf32, #tpu.memory_space<vmem>>, %arg9: memref<512x64xf32, #tpu.memory_space<vmem>>, %arg10: memref<16xf32, #tpu.memory_space<vmem>>, %arg11: memref<!tpu.dma_semaphore, #tpu.memory_space<semaphore_mem>>, %arg12: memref<!tpu.dma_semaphore, #tpu.memory_space<semaphore_mem>>) attributes {dimension_semantics = [#tpu.dimension_semantics<core_parallel>, #tpu.dimension_semantics<subcore_parallel>], iteration_bounds = array<i64: 2, 16>, scalar_prefetch = 0 : i64, scratch_operands = 6 : i64, tpu.core_type = #tpu.core_type<sc_vector_subcore>, window_params = [{transform_indices = #map}, {transform_indices = #map1}, {transform_indices = #map}, {transform_indices = #map}, {transform_indices = #map}]} {
    %mul3A = arith.constant 2 : i32
    %mul3A_0 = arith.muli %arg1, %mul3A : i32
    %add3A = arith.addi %mul3A_0, %arg0 : i32
    %mul3A_1 = arith.constant 512 : i32
    %mul3A_2 = arith.muli %add3A, %mul3A_1 : i32
    %multiple_of3A = tpu.assume_multiple %mul3A_2, 512 : i32
    %broadcast_in_dim3A = arith.constant 0.000000e+00 : f32
    %broadcast_in_dim3A_3 = vector.broadcast %broadcast_in_dim3A : f32 to vector<16xf32>
    %swap3A = arith.constant 0 : index
    %swap3A_4 = tpu.vector_load %arg10[%swap3A] {strides = array<i32>} : memref<16xf32, #tpu.memory_space<vmem>>, vector<16xf32>,
    %swap3A_5 = vector.shape_cast %swap3A_4 : vector<16xf32> to vector<16xf32>
    %swap3A_6 = vector.shape_cast %broadcast_in_dim3A_3 : vector<16xf32> to vector<16xf32>
    tpu.vector_store %arg10[%swap3A], %swap3A_6 {strides = array<i32>} : memref<16xf32, #tpu.memory_space<vmem>>, vector<16xf32>,
    "tpu.region"() ({
      %run_scoped3A = tpu.sem_alloc : memref<!tpu.dma_semaphore, #tpu.memory_space<semaphore_mem>>
      %dma_start3A_179 = arith.constant 0 : i32
      %dma_start3A_180 = arith.constant 0 : i32
      %dma_start3A_181 = tpu.memref_slice %arg3[%add3A, %dma_start3A_179, %dma_start3A_180] : memref<32x4x128xi32, #tpu.memory_space<hbm>> -> memref<1x4x128xi32, #tpu.memory_space<hbm>>
      %dma_start3A_182 = tpu.memref_squeeze %dma_start3A_181 : memref<1x4x128xi32, #tpu.memory_space<hbm>> -> memref<4x128xi32, #tpu.memory_space<hbm>>
      %dma_start3A_183 = arith.constant 0 : i32
      %dma_start3A_184 = arith.constant 0 : i32
      %dma_start3A_185 = tpu.memref_slice %arg3[%add3A, %dma_start3A_183, %dma_start3A_184] : memref<32x4x128xi32, #tpu.memory_space<hbm>> -> memref<1x4x128xi32, #tpu.memory_space<hbm>>
      %dma_start3A_186 = tpu.memref_squeeze %dma_start3A_185 : memref<1x4x128xi32, #tpu.memory_space<hbm>> -> memref<4x128xi32, #tpu.memory_space<hbm>>
      tpu.enqueue_dma source(%dma_start3A_186 : memref<4x128xi32, #tpu.memory_space<hbm>>) target(%arg7 : memref<4x128xi32, #tpu.memory_space<vmem>>) target_semaphore(%run_scoped3A : memref<!tpu.dma_semaphore, #tpu.memory_space<semaphore_mem>>)
      %dma_wait3A_187 = arith.constant 0 : i32
      %dma_wait3A_188 = arith.constant 0 : i32
      %dma_wait3A_189 = tpu.memref_slice %arg3[%add3A, %dma_wait3A_187, %dma_wait3A_188] : memref<32x4x128xi32, #tpu.memory_space<hbm>> -> memref<1x4x128xi32, #tpu.memory_space<hbm>>
      %dma_wait3A_190 = tpu.memref_squeeze %dma_wait3A_189 : memref<1x4x128xi32, #tpu.memory_space<hbm>> -> memref<4x128xi32, #tpu.memory_space<hbm>>
      %dma_wait3A_191 = arith.constant 0 : i32
      %dma_wait3A_192 = arith.constant 0 : i32
      %dma_wait3A_193 = tpu.memref_slice %arg3[%add3A, %dma_wait3A_191, %dma_wait3A_192] : memref<32x4x128xi32, #tpu.memory_space<hbm>> -> memref<1x4x128xi32, #tpu.memory_space<hbm>>
      %dma_wait3A_194 = tpu.memref_squeeze %dma_wait3A_193 : memref<1x4x128xi32, #tpu.memory_space<hbm>> -> memref<4x128xi32, #tpu.memory_space<hbm>>
      tpu.wait_dma2 semaphore(%run_scoped3A : memref<!tpu.dma_semaphore, #tpu.memory_space<semaphore_mem>>) src(%dma_wait3A_194 : memref<4x128xi32, #tpu.memory_space<hbm>>) dst(%arg7 : memref<4x128xi32, #tpu.memory_space<vmem>>)
      tpu.yield
    }) : () -> ()
    %dma_start3A = arith.constant 0 : i32
    %dma_start3A_7 = arith.constant 0 : i32
    %dma_start3A_8 = arith.constant 0 : i32
    %dma_start3A_9 = tpu.memref_slice %arg8[%dma_start3A_7, %dma_start3A_8] : memref<512x64xf32, #tpu.memory_space<vmem>> -> memref<128x64xf32, #tpu.memory_space<vmem>>
    %dma_start3A_10 = arith.constant 0 : i32
    %dma_start3A_11 = tpu.memref_slice %arg7[%dma_start3A, %dma_start3A_10] : memref<4x128xi32, #tpu.memory_space<vmem>> -> memref<1x128xi32, #tpu.memory_space<vmem>>
    %dma_start3A_12 = tpu.memref_squeeze %dma_start3A_11 : memref<1x128xi32, #tpu.memory_space<vmem>> -> memref<128xi32, #tpu.memory_space<vmem>>
    %dma_start3A_13 = arith.constant 0 : i32
    %dma_start3A_14 = arith.constant 0 : i32
    %dma_start3A_15 = tpu.memref_slice %arg4[%dma_start3A_13, %dma_start3A_14] : memref<1000000x64xf32, #tpu.memory_space<hbm>> -> memref<1000000x64xf32, #tpu.memory_space<hbm>>
    tpu.enqueue_indirect_dma source(%dma_start3A_15 : memref<1000000x64xf32, #tpu.memory_space<hbm>>) target(%dma_start3A_9 : memref<128x64xf32, #tpu.memory_space<vmem>>) offsets(%dma_start3A_12 : memref<128xi32, #tpu.memory_space<vmem>>) semaphore(%arg11 : memref<!tpu.dma_semaphore, #tpu.memory_space<semaphore_mem>>)
    %dma_start3A_16 = arith.constant 1 : i32
    %dma_start3A_17 = arith.constant 128 : i32
    %dma_start3A_18 = arith.constant 0 : i32
    %dma_start3A_19 = tpu.memref_slice %arg8[%dma_start3A_17, %dma_start3A_18] : memref<512x64xf32, #tpu.memory_space<vmem>> -> memref<128x64xf32, #tpu.memory_space<vmem>>
    %dma_start3A_20 = arith.constant 0 : i32
    %dma_start3A_21 = tpu.memref_slice %arg7[%dma_start3A_16, %dma_start3A_20] : memref<4x128xi32, #tpu.memory_space<vmem>> -> memref<1x128xi32, #tpu.memory_space<vmem>>
    %dma_start3A_22 = tpu.memref_squeeze %dma_start3A_21 : memref<1x128xi32, #tpu.memory_space<vmem>> -> memref<128xi32, #tpu.memory_space<vmem>>
    %dma_start3A_23 = arith.constant 0 : i32
    %dma_start3A_24 = arith.constant 0 : i32
    %dma_start3A_25 = tpu.memref_slice %arg4[%dma_start3A_23, %dma_start3A_24] : memref<1000000x64xf32, #tpu.memory_space<hbm>> -> memref<1000000x64xf32, #tpu.memory_space<hbm>>
    tpu.enqueue_indirect_dma source(%dma_start3A_25 : memref<1000000x64xf32, #tpu.memory_space<hbm>>) target(%dma_start3A_19 : memref<128x64xf32, #tpu.memory_space<vmem>>) offsets(%dma_start3A_22 : memref<128xi32, #tpu.memory_space<vmem>>) semaphore(%arg11 : memref<!tpu.dma_semaphore, #tpu.memory_space<semaphore_mem>>)
    %dma_start3A_26 = arith.constant 2 : i32
    %dma_start3A_27 = arith.constant 256 : i32
    %dma_start3A_28 = arith.constant 0 : i32
    %dma_start3A_29 = tpu.memref_slice %arg8[%dma_start3A_27, %dma_start3A_28] : memref<512x64xf32, #tpu.memory_space<vmem>> -> memref<128x64xf32, #tpu.memory_space<vmem>>
    %dma_start3A_30 = arith.constant 0 : i32
    %dma_start3A_31 = tpu.memref_slice %arg7[%dma_start3A_26, %dma_start3A_30] : memref<4x128xi32, #tpu.memory_space<vmem>> -> memref<1x128xi32, #tpu.memory_space<vmem>>
    %dma_start3A_32 = tpu.memref_squeeze %dma_start3A_31 : memref<1x128xi32, #tpu.memory_space<vmem>> -> memref<128xi32, #tpu.memory_space<vmem>>
    %dma_start3A_33 = arith.constant 0 : i32
    %dma_start3A_34 = arith.constant 0 : i32
    %dma_start3A_35 = tpu.memref_slice %arg4[%dma_start3A_33, %dma_start3A_34] : memref<1000000x64xf32, #tpu.memory_space<hbm>> -> memref<1000000x64xf32, #tpu.memory_space<hbm>>
    tpu.enqueue_indirect_dma source(%dma_start3A_35 : memref<1000000x64xf32, #tpu.memory_space<hbm>>) target(%dma_start3A_29 : memref<128x64xf32, #tpu.memory_space<vmem>>) offsets(%dma_start3A_32 : memref<128xi32, #tpu.memory_space<vmem>>) semaphore(%arg11 : memref<!tpu.dma_semaphore, #tpu.memory_space<semaphore_mem>>)
    %dma_start3A_36 = arith.constant 3 : i32
    %dma_start3A_37 = arith.constant 384 : i32
    %dma_start3A_38 = arith.constant 0 : i32
    %dma_start3A_39 = tpu.memref_slice %arg8[%dma_start3A_37, %dma_start3A_38] : memref<512x64xf32, #tpu.memory_space<vmem>> -> memref<128x64xf32, #tpu.memory_space<vmem>>
    %dma_start3A_40 = arith.constant 0 : i32
    %dma_start3A_41 = tpu.memref_slice %arg7[%dma_start3A_36, %dma_start3A_40] : memref<4x128xi32, #tpu.memory_space<vmem>> -> memref<1x128xi32, #tpu.memory_space<vmem>>
    %dma_start3A_42 = tpu.memref_squeeze %dma_start3A_41 : memref<1x128xi32, #tpu.memory_space<vmem>> -> memref<128xi32, #tpu.memory_space<vmem>>
    %dma_start3A_43 = arith.constant 0 : i32
    %dma_start3A_44 = arith.constant 0 : i32
    %dma_start3A_45 = tpu.memref_slice %arg4[%dma_start3A_43, %dma_start3A_44] : memref<1000000x64xf32, #tpu.memory_space<hbm>> -> memref<1000000x64xf32, #tpu.memory_space<hbm>>
    tpu.enqueue_indirect_dma source(%dma_start3A_45 : memref<1000000x64xf32, #tpu.memory_space<hbm>>) target(%dma_start3A_39 : memref<128x64xf32, #tpu.memory_space<vmem>>) offsets(%dma_start3A_42 : memref<128xi32, #tpu.memory_space<vmem>>) semaphore(%arg11 : memref<!tpu.dma_semaphore, #tpu.memory_space<semaphore_mem>>)
    %dma_start3A_46 = arith.constant 0 : i32
    %dma_start3A_47 = tpu.memref_slice %arg2[%multiple_of3A, %dma_start3A_46] : memref<16384x64xf32, #tpu.memory_space<hbm>> -> memref<512x64xf32, #tpu.memory_space<hbm>>
    %dma_start3A_48 = arith.constant 0 : i32
    %dma_start3A_49 = tpu.memref_slice %arg2[%multiple_of3A, %dma_start3A_48] : memref<16384x64xf32, #tpu.memory_space<hbm>> -> memref<512x64xf32, #tpu.memory_space<hbm>>
    tpu.enqueue_dma source(%dma_start3A_49 : memref<512x64xf32, #tpu.memory_space<hbm>>) target(%arg9 : memref<512x64xf32, #tpu.memory_space<vmem>>) target_semaphore(%arg12 : memref<!tpu.dma_semaphore, #tpu.memory_space<semaphore_mem>>)
    %dma_wait3A = arith.constant 0 : i32
    %dma_wait3A_50 = arith.constant 0 : i32
    %dma_wait3A_51 = arith.constant 0 : i32
    %dma_wait3A_52 = tpu.memref_slice %arg8[%dma_wait3A_50, %dma_wait3A_51] : memref<512x64xf32, #tpu.memory_space<vmem>> -> memref<128x64xf32, #tpu.memory_space<vmem>>
    %dma_wait3A_53 = arith.constant 0 : i32
    %dma_wait3A_54 = tpu.memref_slice %arg7[%dma_wait3A, %dma_wait3A_53] : memref<4x128xi32, #tpu.memory_space<vmem>> -> memref<1x128xi32, #tpu.memory_space<vmem>>
    %dma_wait3A_55 = tpu.memref_squeeze %dma_wait3A_54 : memref<1x128xi32, #tpu.memory_space<vmem>> -> memref<128xi32, #tpu.memory_space<vmem>>
    %dma_wait3A_56 = arith.constant 0 : i32
    %dma_wait3A_57 = arith.constant 0 : i32
    %dma_wait3A_58 = tpu.memref_slice %arg4[%dma_wait3A_56, %dma_wait3A_57] : memref<1000000x64xf32, #tpu.memory_space<hbm>> -> memref<1000000x64xf32, #tpu.memory_space<hbm>>
    tpu.wait_indirect_dma semaphore(%arg11 : memref<!tpu.dma_semaphore, #tpu.memory_space<semaphore_mem>>) src(%dma_wait3A_58 : memref<1000000x64xf32, #tpu.memory_space<hbm>>) dst(%dma_wait3A_52 : memref<128x64xf32, #tpu.memory_space<vmem>>)
    %dma_wait3A_59 = arith.constant 1 : i32
    %dma_wait3A_60 = arith.constant 128 : i32
    %dma_wait3A_61 = arith.constant 0 : i32
    %dma_wait3A_62 = tpu.memref_slice %arg8[%dma_wait3A_60, %dma_wait3A_61] : memref<512x64xf32, #tpu.memory_space<vmem>> -> memref<128x64xf32, #tpu.memory_space<vmem>>
    %dma_wait3A_63 = arith.constant 0 : i32
    %dma_wait3A_64 = tpu.memref_slice %arg7[%dma_wait3A_59, %dma_wait3A_63] : memref<4x128xi32, #tpu.memory_space<vmem>> -> memref<1x128xi32, #tpu.memory_space<vmem>>
    %dma_wait3A_65 = tpu.memref_squeeze %dma_wait3A_64 : memref<1x128xi32, #tpu.memory_space<vmem>> -> memref<128xi32, #tpu.memory_space<vmem>>
    %dma_wait3A_66 = arith.constant 0 : i32
    %dma_wait3A_67 = arith.constant 0 : i32
    %dma_wait3A_68 = tpu.memref_slice %arg4[%dma_wait3A_66, %dma_wait3A_67] : memref<1000000x64xf32, #tpu.memory_space<hbm>> -> memref<1000000x64xf32, #tpu.memory_space<hbm>>
    tpu.wait_indirect_dma semaphore(%arg11 : memref<!tpu.dma_semaphore, #tpu.memory_space<semaphore_mem>>) src(%dma_wait3A_68 : memref<1000000x64xf32, #tpu.memory_space<hbm>>) dst(%dma_wait3A_62 : memref<128x64xf32, #tpu.memory_space<vmem>>)
    %dma_wait3A_69 = arith.constant 2 : i32
    %dma_wait3A_70 = arith.constant 256 : i32
    %dma_wait3A_71 = arith.constant 0 : i32
    %dma_wait3A_72 = tpu.memref_slice %arg8[%dma_wait3A_70, %dma_wait3A_71] : memref<512x64xf32, #tpu.memory_space<vmem>> -> memref<128x64xf32, #tpu.memory_space<vmem>>
    %dma_wait3A_73 = arith.constant 0 : i32
    %dma_wait3A_74 = tpu.memref_slice %arg7[%dma_wait3A_69, %dma_wait3A_73] : memref<4x128xi32, #tpu.memory_space<vmem>> -> memref<1x128xi32, #tpu.memory_space<vmem>>
    %dma_wait3A_75 = tpu.memref_squeeze %dma_wait3A_74 : memref<1x128xi32, #tpu.memory_space<vmem>> -> memref<128xi32, #tpu.memory_space<vmem>>
    %dma_wait3A_76 = arith.constant 0 : i32
    %dma_wait3A_77 = arith.constant 0 : i32
    %dma_wait3A_78 = tpu.memref_slice %arg4[%dma_wait3A_76, %dma_wait3A_77] : memref<1000000x64xf32, #tpu.memory_space<hbm>> -> memref<1000000x64xf32, #tpu.memory_space<hbm>>
    tpu.wait_indirect_dma semaphore(%arg11 : memref<!tpu.dma_semaphore, #tpu.memory_space<semaphore_mem>>) src(%dma_wait3A_78 : memref<1000000x64xf32, #tpu.memory_space<hbm>>) dst(%dma_wait3A_72 : memref<128x64xf32, #tpu.memory_space<vmem>>)
    %dma_wait3A_79 = arith.constant 3 : i32
    %dma_wait3A_80 = arith.constant 384 : i32
    %dma_wait3A_81 = arith.constant 0 : i32
    %dma_wait3A_82 = tpu.memref_slice %arg8[%dma_wait3A_80, %dma_wait3A_81] : memref<512x64xf32, #tpu.memory_space<vmem>> -> memref<128x64xf32, #tpu.memory_space<vmem>>
    %dma_wait3A_83 = arith.constant 0 : i32
    %dma_wait3A_84 = tpu.memref_slice %arg7[%dma_wait3A_79, %dma_wait3A_83] : memref<4x128xi32, #tpu.memory_space<vmem>> -> memref<1x128xi32, #tpu.memory_space<vmem>>
    %dma_wait3A_85 = tpu.memref_squeeze %dma_wait3A_84 : memref<1x128xi32, #tpu.memory_space<vmem>> -> memref<128xi32, #tpu.memory_space<vmem>>
    %dma_wait3A_86 = arith.constant 0 : i32
    %dma_wait3A_87 = arith.constant 0 : i32
    %dma_wait3A_88 = tpu.memref_slice %arg4[%dma_wait3A_86, %dma_wait3A_87] : memref<1000000x64xf32, #tpu.memory_space<hbm>> -> memref<1000000x64xf32, #tpu.memory_space<hbm>>
    tpu.wait_indirect_dma semaphore(%arg11 : memref<!tpu.dma_semaphore, #tpu.memory_space<semaphore_mem>>) src(%dma_wait3A_88 : memref<1000000x64xf32, #tpu.memory_space<hbm>>) dst(%dma_wait3A_82 : memref<128x64xf32, #tpu.memory_space<vmem>>)
    %dma_wait3A_89 = arith.constant 0 : i32
    %dma_wait3A_90 = tpu.memref_slice %arg2[%multiple_of3A, %dma_wait3A_89] : memref<16384x64xf32, #tpu.memory_space<hbm>> -> memref<512x64xf32, #tpu.memory_space<hbm>>
    %dma_wait3A_91 = arith.constant 0 : i32
    %dma_wait3A_92 = tpu.memref_slice %arg2[%multiple_of3A, %dma_wait3A_91] : memref<16384x64xf32, #tpu.memory_space<hbm>> -> memref<512x64xf32, #tpu.memory_space<hbm>>
    tpu.wait_dma2 semaphore(%arg12 : memref<!tpu.dma_semaphore, #tpu.memory_space<semaphore_mem>>) src(%dma_wait3A_92 : memref<512x64xf32, #tpu.memory_space<hbm>>) dst(%arg9 : memref<512x64xf32, #tpu.memory_space<vmem>>)
    %scan3A = arith.constant 0 : i32
    %scan3A_93 = arith.constant 0 : i32
    %scan3A_94 = arith.constant 512 : i32
    %scan3A_95 = arith.addi %scan3A_93, %scan3A_94 : i32
    %scan3A_96 = arith.constant 1 : i32
    %scan3A_97 = scf.for %scan3A_179 = %scan3A_93 to %scan3A_95 step %scan3A_96 iter_args(%scan3A_180 = %scan3A) -> (i32)  : i32 {
      %get3A = arith.index_cast %scan3A_179 : i32 to index
      %get3A_181 = arith.constant 0 : index
      %get3A_182 = tpu.vector_load %arg8[%get3A, %get3A_181] {strides = array<i32>} : memref<512x64xf32, #tpu.memory_space<vmem>>, vector<1x16xf32>,
      %get3A_183 = vector.shape_cast %get3A_182 : vector<1x16xf32> to vector<16xf32>
      %get3A_184 = arith.index_cast %scan3A_179 : i32 to index
      %get3A_185 = arith.constant 0 : index
      %get3A_186 = tpu.vector_load %arg9[%get3A_184, %get3A_185] {strides = array<i32>} : memref<512x64xf32, #tpu.memory_space<vmem>>, vector<1x16xf32>,
      %get3A_187 = vector.shape_cast %get3A_186 : vector<1x16xf32> to vector<16xf32>
      %sub3A = arith.subf %get3A_187, %get3A_183 : vector<16xf32>
      %get3A_188 = arith.constant 0 : index
      %get3A_189 = tpu.vector_load %arg10[%get3A_188] {strides = array<i32>} : memref<16xf32, #tpu.memory_space<vmem>>, vector<16xf32>,
      %get3A_190 = vector.shape_cast %get3A_189 : vector<16xf32> to vector<16xf32>
      %mul3A_191 = arith.mulf %sub3A, %sub3A : vector<16xf32>
      %add3A_192 = arith.addf %get3A_190, %mul3A_191 : vector<16xf32>
      %swap3A_193 = arith.constant 0 : index
      %swap3A_194 = tpu.vector_load %arg10[%swap3A_193] {strides = array<i32>} : memref<16xf32, #tpu.memory_space<vmem>>, vector<16xf32>,
      %swap3A_195 = vector.shape_cast %swap3A_194 : vector<16xf32> to vector<16xf32>
      %swap3A_196 = vector.shape_cast %add3A_192 : vector<16xf32> to vector<16xf32>
      tpu.vector_store %arg10[%swap3A_193], %swap3A_196 {strides = array<i32>} : memref<16xf32, #tpu.memory_space<vmem>>, vector<16xf32>,
      %mul3A_197 = arith.constant 0.00999999977 : f32
      %mul3A_198 = vector.broadcast %mul3A_197 : f32 to vector<16xf32>
      %mul3A_199 = arith.mulf %sub3A, %mul3A_198 : vector<16xf32>
      %add3A_200 = arith.addf %get3A_183, %mul3A_199 : vector<16xf32>
      %swap3A_201 = arith.index_cast %scan3A_179 : i32 to index
      %swap3A_202 = arith.constant 0 : index
      %swap3A_203 = tpu.vector_load %arg8[%swap3A_201, %swap3A_202] {strides = array<i32>} : memref<512x64xf32, #tpu.memory_space<vmem>>, vector<1x16xf32>,
      %swap3A_204 = vector.shape_cast %swap3A_203 : vector<1x16xf32> to vector<16xf32>
      %swap3A_205 = vector.shape_cast %add3A_200 : vector<16xf32> to vector<1x16xf32>
      tpu.vector_store %arg8[%swap3A_201, %swap3A_202], %swap3A_205 {strides = array<i32>} : memref<512x64xf32, #tpu.memory_space<vmem>>, vector<1x16xf32>,
      %get3A_206 = arith.index_cast %scan3A_179 : i32 to index
      %get3A_207 = arith.constant 16 : index
      %get3A_208 = tpu.vector_load %arg8[%get3A_206, %get3A_207] {strides = array<i32>} : memref<512x64xf32, #tpu.memory_space<vmem>>, vector<1x16xf32>,
      %get3A_209 = vector.shape_cast %get3A_208 : vector<1x16xf32> to vector<16xf32>
      %get3A_210 = arith.index_cast %scan3A_179 : i32 to index
      %get3A_211 = arith.constant 16 : index
      %get3A_212 = tpu.vector_load %arg9[%get3A_210, %get3A_211] {strides = array<i32>} : memref<512x64xf32, #tpu.memory_space<vmem>>, vector<1x16xf32>,
      %get3A_213 = vector.shape_cast %get3A_212 : vector<1x16xf32> to vector<16xf32>
      %sub3A_214 = arith.subf %get3A_213, %get3A_209 : vector<16xf32>
      %get3A_215 = arith.constant 0 : index
      %get3A_216 = tpu.vector_load %arg10[%get3A_215] {strides = array<i32>} : memref<16xf32, #tpu.memory_space<vmem>>, vector<16xf32>,
      %get3A_217 = vector.shape_cast %get3A_216 : vector<16xf32> to vector<16xf32>
      %mul3A_218 = arith.mulf %sub3A_214, %sub3A_214 : vector<16xf32>
      %add3A_219 = arith.addf %get3A_217, %mul3A_218 : vector<16xf32>
      %swap3A_220 = arith.constant 0 : index
      %swap3A_221 = tpu.vector_load %arg10[%swap3A_220] {strides = array<i32>} : memref<16xf32, #tpu.memory_space<vmem>>, vector<16xf32>,
      %swap3A_222 = vector.shape_cast %swap3A_221 : vector<16xf32> to vector<16xf32>
      %swap3A_223 = vector.shape_cast %add3A_219 : vector<16xf32> to vector<16xf32>
      tpu.vector_store %arg10[%swap3A_220], %swap3A_223 {strides = array<i32>} : memref<16xf32, #tpu.memory_space<vmem>>, vector<16xf32>,
      %mul3A_224 = arith.constant 0.00999999977 : f32
      %mul3A_225 = vector.broadcast %mul3A_224 : f32 to vector<16xf32>
      %mul3A_226 = arith.mulf %sub3A_214, %mul3A_225 : vector<16xf32>
      %add3A_227 = arith.addf %get3A_209, %mul3A_226 : vector<16xf32>
      %swap3A_228 = arith.index_cast %scan3A_179 : i32 to index
      %swap3A_229 = arith.constant 16 : index
      %swap3A_230 = tpu.vector_load %arg8[%swap3A_228, %swap3A_229] {strides = array<i32>} : memref<512x64xf32, #tpu.memory_space<vmem>>, vector<1x16xf32>,
      %swap3A_231 = vector.shape_cast %swap3A_230 : vector<1x16xf32> to vector<16xf32>
      %swap3A_232 = vector.shape_cast %add3A_227 : vector<16xf32> to vector<1x16xf32>
      tpu.vector_store %arg8[%swap3A_228, %swap3A_229], %swap3A_232 {strides = array<i32>} : memref<512x64xf32, #tpu.memory_space<vmem>>, vector<1x16xf32>,
      %get3A_233 = arith.index_cast %scan3A_179 : i32 to index
      %get3A_234 = arith.constant 32 : index
      %get3A_235 = tpu.vector_load %arg8[%get3A_233, %get3A_234] {strides = array<i32>} : memref<512x64xf32, #tpu.memory_space<vmem>>, vector<1x16xf32>,
      %get3A_236 = vector.shape_cast %get3A_235 : vector<1x16xf32> to vector<16xf32>
      %get3A_237 = arith.index_cast %scan3A_179 : i32 to index
      %get3A_238 = arith.constant 32 : index
      %get3A_239 = tpu.vector_load %arg9[%get3A_237, %get3A_238] {strides = array<i32>} : memref<512x64xf32, #tpu.memory_space<vmem>>, vector<1x16xf32>,
      %get3A_240 = vector.shape_cast %get3A_239 : vector<1x16xf32> to vector<16xf32>
      %sub3A_241 = arith.subf %get3A_240, %get3A_236 : vector<16xf32>
      %get3A_242 = arith.constant 0 : index
      %get3A_243 = tpu.vector_load %arg10[%get3A_242] {strides = array<i32>} : memref<16xf32, #tpu.memory_space<vmem>>, vector<16xf32>,
      %get3A_244 = vector.shape_cast %get3A_243 : vector<16xf32> to vector<16xf32>
      %mul3A_245 = arith.mulf %sub3A_241, %sub3A_241 : vector<16xf32>
      %add3A_246 = arith.addf %get3A_244, %mul3A_245 : vector<16xf32>
      %swap3A_247 = arith.constant 0 : index
      %swap3A_248 = tpu.vector_load %arg10[%swap3A_247] {strides = array<i32>} : memref<16xf32, #tpu.memory_space<vmem>>, vector<16xf32>,
      %swap3A_249 = vector.shape_cast %swap3A_248 : vector<16xf32> to vector<16xf32>
      %swap3A_250 = vector.shape_cast %add3A_246 : vector<16xf32> to vector<16xf32>
      tpu.vector_store %arg10[%swap3A_247], %swap3A_250 {strides = array<i32>} : memref<16xf32, #tpu.memory_space<vmem>>, vector<16xf32>,
      %mul3A_251 = arith.constant 0.00999999977 : f32
      %mul3A_252 = vector.broadcast %mul3A_251 : f32 to vector<16xf32>
      %mul3A_253 = arith.mulf %sub3A_241, %mul3A_252 : vector<16xf32>
      %add3A_254 = arith.addf %get3A_236, %mul3A_253 : vector<16xf32>
      %swap3A_255 = arith.index_cast %scan3A_179 : i32 to index
      %swap3A_256 = arith.constant 32 : index
      %swap3A_257 = tpu.vector_load %arg8[%swap3A_255, %swap3A_256] {strides = array<i32>} : memref<512x64xf32, #tpu.memory_space<vmem>>, vector<1x16xf32>,
      %swap3A_258 = vector.shape_cast %swap3A_257 : vector<1x16xf32> to vector<16xf32>
      %swap3A_259 = vector.shape_cast %add3A_254 : vector<16xf32> to vector<1x16xf32>
      tpu.vector_store %arg8[%swap3A_255, %swap3A_256], %swap3A_259 {strides = array<i32>} : memref<512x64xf32, #tpu.memory_space<vmem>>, vector<1x16xf32>,
      %get3A_260 = arith.index_cast %scan3A_179 : i32 to index
      %get3A_261 = arith.constant 48 : index
      %get3A_262 = tpu.vector_load %arg8[%get3A_260, %get3A_261] {strides = array<i32>} : memref<512x64xf32, #tpu.memory_space<vmem>>, vector<1x16xf32>,
      %get3A_263 = vector.shape_cast %get3A_262 : vector<1x16xf32> to vector<16xf32>
      %get3A_264 = arith.index_cast %scan3A_179 : i32 to index
      %get3A_265 = arith.constant 48 : index
      %get3A_266 = tpu.vector_load %arg9[%get3A_264, %get3A_265] {strides = array<i32>} : memref<512x64xf32, #tpu.memory_space<vmem>>, vector<1x16xf32>,
      %get3A_267 = vector.shape_cast %get3A_266 : vector<1x16xf32> to vector<16xf32>
      %sub3A_268 = arith.subf %get3A_267, %get3A_263 : vector<16xf32>
      %get3A_269 = arith.constant 0 : index
      %get3A_270 = tpu.vector_load %arg10[%get3A_269] {strides = array<i32>} : memref<16xf32, #tpu.memory_space<vmem>>, vector<16xf32>,
      %get3A_271 = vector.shape_cast %get3A_270 : vector<16xf32> to vector<16xf32>
      %mul3A_272 = arith.mulf %sub3A_268, %sub3A_268 : vector<16xf32>
      %add3A_273 = arith.addf %get3A_271, %mul3A_272 : vector<16xf32>
      %swap3A_274 = arith.constant 0 : index
      %swap3A_275 = tpu.vector_load %arg10[%swap3A_274] {strides = array<i32>} : memref<16xf32, #tpu.memory_space<vmem>>, vector<16xf32>,
      %swap3A_276 = vector.shape_cast %swap3A_275 : vector<16xf32> to vector<16xf32>
      %swap3A_277 = vector.shape_cast %add3A_273 : vector<16xf32> to vector<16xf32>
      tpu.vector_store %arg10[%swap3A_274], %swap3A_277 {strides = array<i32>} : memref<16xf32, #tpu.memory_space<vmem>>, vector<16xf32>,
      %mul3A_278 = arith.constant 0.00999999977 : f32
      %mul3A_279 = vector.broadcast %mul3A_278 : f32 to vector<16xf32>
      %mul3A_280 = arith.mulf %sub3A_268, %mul3A_279 : vector<16xf32>
      %add3A_281 = arith.addf %get3A_263, %mul3A_280 : vector<16xf32>
      %swap3A_282 = arith.index_cast %scan3A_179 : i32 to index
      %swap3A_283 = arith.constant 48 : index
      %swap3A_284 = tpu.vector_load %arg8[%swap3A_282, %swap3A_283] {strides = array<i32>} : memref<512x64xf32, #tpu.memory_space<vmem>>, vector<1x16xf32>,
      %swap3A_285 = vector.shape_cast %swap3A_284 : vector<1x16xf32> to vector<16xf32>
      %swap3A_286 = vector.shape_cast %add3A_281 : vector<16xf32> to vector<1x16xf32>
      tpu.vector_store %arg8[%swap3A_282, %swap3A_283], %swap3A_286 {strides = array<i32>} : memref<512x64xf32, #tpu.memory_space<vmem>>, vector<1x16xf32>,
      %scan3A_287 = arith.constant 0 : i32
      scf.yield %scan3A_287 : i32
    }
    %scan3A_98 = arith.constant 512 : i32
    %dma_start3A_99 = arith.constant 0 : i32
    %dma_start3A_100 = arith.constant 0 : i32
    %dma_start3A_101 = arith.constant 0 : i32
    %dma_start3A_102 = tpu.memref_slice %arg8[%dma_start3A_100, %dma_start3A_101] : memref<512x64xf32, #tpu.memory_space<vmem>> -> memref<128x64xf32, #tpu.memory_space<vmem>>
    %dma_start3A_103 = arith.constant 0 : i32
    %dma_start3A_104 = tpu.memref_slice %arg7[%dma_start3A_99, %dma_start3A_103] : memref<4x128xi32, #tpu.memory_space<vmem>> -> memref<1x128xi32, #tpu.memory_space<vmem>>
    %dma_start3A_105 = tpu.memref_squeeze %dma_start3A_104 : memref<1x128xi32, #tpu.memory_space<vmem>> -> memref<128xi32, #tpu.memory_space<vmem>>
    %dma_start3A_106 = arith.constant 0 : i32
    %dma_start3A_107 = arith.constant 0 : i32
    %dma_start3A_108 = tpu.memref_slice %arg4[%dma_start3A_106, %dma_start3A_107] : memref<1000000x64xf32, #tpu.memory_space<hbm>> -> memref<1000000x64xf32, #tpu.memory_space<hbm>>
    tpu.enqueue_indirect_dma source(%dma_start3A_102 : memref<128x64xf32, #tpu.memory_space<vmem>>) target(%dma_start3A_108 : memref<1000000x64xf32, #tpu.memory_space<hbm>>) offsets(%dma_start3A_105 : memref<128xi32, #tpu.memory_space<vmem>>) semaphore(%arg11 : memref<!tpu.dma_semaphore, #tpu.memory_space<semaphore_mem>>)
    %dma_start3A_109 = arith.constant 1 : i32
    %dma_start3A_110 = arith.constant 128 : i32
    %dma_start3A_111 = arith.constant 0 : i32
    %dma_start3A_112 = tpu.memref_slice %arg8[%dma_start3A_110, %dma_start3A_111] : memref<512x64xf32, #tpu.memory_space<vmem>> -> memref<128x64xf32, #tpu.memory_space<vmem>>
    %dma_start3A_113 = arith.constant 0 : i32
    %dma_start3A_114 = tpu.memref_slice %arg7[%dma_start3A_109, %dma_start3A_113] : memref<4x128xi32, #tpu.memory_space<vmem>> -> memref<1x128xi32, #tpu.memory_space<vmem>>
    %dma_start3A_115 = tpu.memref_squeeze %dma_start3A_114 : memref<1x128xi32, #tpu.memory_space<vmem>> -> memref<128xi32, #tpu.memory_space<vmem>>
    %dma_start3A_116 = arith.constant 0 : i32
    %dma_start3A_117 = arith.constant 0 : i32
    %dma_start3A_118 = tpu.memref_slice %arg4[%dma_start3A_116, %dma_start3A_117] : memref<1000000x64xf32, #tpu.memory_space<hbm>> -> memref<1000000x64xf32, #tpu.memory_space<hbm>>
    tpu.enqueue_indirect_dma source(%dma_start3A_112 : memref<128x64xf32, #tpu.memory_space<vmem>>) target(%dma_start3A_118 : memref<1000000x64xf32, #tpu.memory_space<hbm>>) offsets(%dma_start3A_115 : memref<128xi32, #tpu.memory_space<vmem>>) semaphore(%arg11 : memref<!tpu.dma_semaphore, #tpu.memory_space<semaphore_mem>>)
    %dma_start3A_119 = arith.constant 2 : i32
    %dma_start3A_120 = arith.constant 256 : i32
    %dma_start3A_121 = arith.constant 0 : i32
    %dma_start3A_122 = tpu.memref_slice %arg8[%dma_start3A_120, %dma_start3A_121] : memref<512x64xf32, #tpu.memory_space<vmem>> -> memref<128x64xf32, #tpu.memory_space<vmem>>
    %dma_start3A_123 = arith.constant 0 : i32
    %dma_start3A_124 = tpu.memref_slice %arg7[%dma_start3A_119, %dma_start3A_123] : memref<4x128xi32, #tpu.memory_space<vmem>> -> memref<1x128xi32, #tpu.memory_space<vmem>>
    %dma_start3A_125 = tpu.memref_squeeze %dma_start3A_124 : memref<1x128xi32, #tpu.memory_space<vmem>> -> memref<128xi32, #tpu.memory_space<vmem>>
    %dma_start3A_126 = arith.constant 0 : i32
    %dma_start3A_127 = arith.constant 0 : i32
    %dma_start3A_128 = tpu.memref_slice %arg4[%dma_start3A_126, %dma_start3A_127] : memref<1000000x64xf32, #tpu.memory_space<hbm>> -> memref<1000000x64xf32, #tpu.memory_space<hbm>>
    tpu.enqueue_indirect_dma source(%dma_start3A_122 : memref<128x64xf32, #tpu.memory_space<vmem>>) target(%dma_start3A_128 : memref<1000000x64xf32, #tpu.memory_space<hbm>>) offsets(%dma_start3A_125 : memref<128xi32, #tpu.memory_space<vmem>>) semaphore(%arg11 : memref<!tpu.dma_semaphore, #tpu.memory_space<semaphore_mem>>)
    %dma_start3A_129 = arith.constant 3 : i32
    %dma_start3A_130 = arith.constant 384 : i32
    %dma_start3A_131 = arith.constant 0 : i32
    %dma_start3A_132 = tpu.memref_slice %arg8[%dma_start3A_130, %dma_start3A_131] : memref<512x64xf32, #tpu.memory_space<vmem>> -> memref<128x64xf32, #tpu.memory_space<vmem>>
    %dma_start3A_133 = arith.constant 0 : i32
    %dma_start3A_134 = tpu.memref_slice %arg7[%dma_start3A_129, %dma_start3A_133] : memref<4x128xi32, #tpu.memory_space<vmem>> -> memref<1x128xi32, #tpu.memory_space<vmem>>
    %dma_start3A_135 = tpu.memref_squeeze %dma_start3A_134 : memref<1x128xi32, #tpu.memory_space<vmem>> -> memref<128xi32, #tpu.memory_space<vmem>>
    %dma_start3A_136 = arith.constant 0 : i32
    %dma_start3A_137 = arith.constant 0 : i32
    %dma_start3A_138 = tpu.memref_slice %arg4[%dma_start3A_136, %dma_start3A_137] : memref<1000000x64xf32, #tpu.memory_space<hbm>> -> memref<1000000x64xf32, #tpu.memory_space<hbm>>
    tpu.enqueue_indirect_dma source(%dma_start3A_132 : memref<128x64xf32, #tpu.memory_space<vmem>>) target(%dma_start3A_138 : memref<1000000x64xf32, #tpu.memory_space<hbm>>) offsets(%dma_start3A_135 : memref<128xi32, #tpu.memory_space<vmem>>) semaphore(%arg11 : memref<!tpu.dma_semaphore, #tpu.memory_space<semaphore_mem>>)
    %dma_wait3A_139 = arith.constant 0 : i32
    %dma_wait3A_140 = arith.constant 0 : i32
    %dma_wait3A_141 = arith.constant 0 : i32
    %dma_wait3A_142 = tpu.memref_slice %arg8[%dma_wait3A_140, %dma_wait3A_141] : memref<512x64xf32, #tpu.memory_space<vmem>> -> memref<128x64xf32, #tpu.memory_space<vmem>>
    %dma_wait3A_143 = arith.constant 0 : i32
    %dma_wait3A_144 = tpu.memref_slice %arg7[%dma_wait3A_139, %dma_wait3A_143] : memref<4x128xi32, #tpu.memory_space<vmem>> -> memref<1x128xi32, #tpu.memory_space<vmem>>
    %dma_wait3A_145 = tpu.memref_squeeze %dma_wait3A_144 : memref<1x128xi32, #tpu.memory_space<vmem>> -> memref<128xi32, #tpu.memory_space<vmem>>
    %dma_wait3A_146 = arith.constant 0 : i32
    %dma_wait3A_147 = arith.constant 0 : i32
    %dma_wait3A_148 = tpu.memref_slice %arg4[%dma_wait3A_146, %dma_wait3A_147] : memref<1000000x64xf32, #tpu.memory_space<hbm>> -> memref<1000000x64xf32, #tpu.memory_space<hbm>>
    tpu.wait_indirect_dma semaphore(%arg11 : memref<!tpu.dma_semaphore, #tpu.memory_space<semaphore_mem>>) src(%dma_wait3A_142 : memref<128x64xf32, #tpu.memory_space<vmem>>) dst(%dma_wait3A_148 : memref<1000000x64xf32, #tpu.memory_space<hbm>>)
    %dma_wait3A_149 = arith.constant 1 : i32
    %dma_wait3A_150 = arith.constant 128 : i32
    %dma_wait3A_151 = arith.constant 0 : i32
    %dma_wait3A_152 = tpu.memref_slice %arg8[%dma_wait3A_150, %dma_wait3A_151] : memref<512x64xf32, #tpu.memory_space<vmem>> -> memref<128x64xf32, #tpu.memory_space<vmem>>
    %dma_wait3A_153 = arith.constant 0 : i32
    %dma_wait3A_154 = tpu.memref_slice %arg7[%dma_wait3A_149, %dma_wait3A_153] : memref<4x128xi32, #tpu.memory_space<vmem>> -> memref<1x128xi32, #tpu.memory_space<vmem>>
    %dma_wait3A_155 = tpu.memref_squeeze %dma_wait3A_154 : memref<1x128xi32, #tpu.memory_space<vmem>> -> memref<128xi32, #tpu.memory_space<vmem>>
    %dma_wait3A_156 = arith.constant 0 : i32
    %dma_wait3A_157 = arith.constant 0 : i32
    %dma_wait3A_158 = tpu.memref_slice %arg4[%dma_wait3A_156, %dma_wait3A_157] : memref<1000000x64xf32, #tpu.memory_space<hbm>> -> memref<1000000x64xf32, #tpu.memory_space<hbm>>
    tpu.wait_indirect_dma semaphore(%arg11 : memref<!tpu.dma_semaphore, #tpu.memory_space<semaphore_mem>>) src(%dma_wait3A_152 : memref<128x64xf32, #tpu.memory_space<vmem>>) dst(%dma_wait3A_158 : memref<1000000x64xf32, #tpu.memory_space<hbm>>)
    %dma_wait3A_159 = arith.constant 2 : i32
    %dma_wait3A_160 = arith.constant 256 : i32
    %dma_wait3A_161 = arith.constant 0 : i32
    %dma_wait3A_162 = tpu.memref_slice %arg8[%dma_wait3A_160, %dma_wait3A_161] : memref<512x64xf32, #tpu.memory_space<vmem>> -> memref<128x64xf32, #tpu.memory_space<vmem>>
    %dma_wait3A_163 = arith.constant 0 : i32
    %dma_wait3A_164 = tpu.memref_slice %arg7[%dma_wait3A_159, %dma_wait3A_163] : memref<4x128xi32, #tpu.memory_space<vmem>> -> memref<1x128xi32, #tpu.memory_space<vmem>>
    %dma_wait3A_165 = tpu.memref_squeeze %dma_wait3A_164 : memref<1x128xi32, #tpu.memory_space<vmem>> -> memref<128xi32, #tpu.memory_space<vmem>>
    %dma_wait3A_166 = arith.constant 0 : i32
    %dma_wait3A_167 = arith.constant 0 : i32
    %dma_wait3A_168 = tpu.memref_slice %arg4[%dma_wait3A_166, %dma_wait3A_167] : memref<1000000x64xf32, #tpu.memory_space<hbm>> -> memref<1000000x64xf32, #tpu.memory_space<hbm>>
    tpu.wait_indirect_dma semaphore(%arg11 : memref<!tpu.dma_semaphore, #tpu.memory_space<semaphore_mem>>) src(%dma_wait3A_162 : memref<128x64xf32, #tpu.memory_space<vmem>>) dst(%dma_wait3A_168 : memref<1000000x64xf32, #tpu.memory_space<hbm>>)
    %dma_wait3A_169 = arith.constant 3 : i32
    %dma_wait3A_170 = arith.constant 384 : i32
    %dma_wait3A_171 = arith.constant 0 : i32
    %dma_wait3A_172 = tpu.memref_slice %arg8[%dma_wait3A_170, %dma_wait3A_171] : memref<512x64xf32, #tpu.memory_space<vmem>> -> memref<128x64xf32, #tpu.memory_space<vmem>>
    %dma_wait3A_173 = arith.constant 0 : i32
    %dma_wait3A_174 = tpu.memref_slice %arg7[%dma_wait3A_169, %dma_wait3A_173] : memref<4x128xi32, #tpu.memory_space<vmem>> -> memref<1x128xi32, #tpu.memory_space<vmem>>
    %dma_wait3A_175 = tpu.memref_squeeze %dma_wait3A_174 : memref<1x128xi32, #tpu.memory_space<vmem>> -> memref<128xi32, #tpu.memory_space<vmem>>
    %dma_wait3A_176 = arith.constant 0 : i32
    %dma_wait3A_177 = arith.constant 0 : i32
    %dma_wait3A_178 = tpu.memref_slice %arg4[%dma_wait3A_176, %dma_wait3A_177] : memref<1000000x64xf32, #tpu.memory_space<hbm>> -> memref<1000000x64xf32, #tpu.memory_space<hbm>>
    tpu.wait_indirect_dma semaphore(%arg11 : memref<!tpu.dma_semaphore, #tpu.memory_space<semaphore_mem>>) src(%dma_wait3A_172 : memref<128x64xf32, #tpu.memory_space<vmem>>) dst(%dma_wait3A_178 : memref<1000000x64xf32, #tpu.memory_space<hbm>>)
    "tpu.region"() ({
      %run_scoped3A = tpu.sem_alloc : memref<!tpu.dma_semaphore, #tpu.memory_space<semaphore_mem>>
      %dma_start3A_179 = arith.constant 0 : i32
      %dma_start3A_180 = tpu.memref_slice %arg5[%add3A, %dma_start3A_179] : memref<32x16xf32, #tpu.memory_space<hbm>> -> memref<1x16xf32, #tpu.memory_space<hbm>>
      %dma_start3A_181 = tpu.memref_squeeze %dma_start3A_180 : memref<1x16xf32, #tpu.memory_space<hbm>> -> memref<16xf32, #tpu.memory_space<hbm>>
      %dma_start3A_182 = arith.constant 0 : i32
      %dma_start3A_183 = tpu.memref_slice %arg5[%add3A, %dma_start3A_182] : memref<32x16xf32, #tpu.memory_space<hbm>> -> memref<1x16xf32, #tpu.memory_space<hbm>>
      %dma_start3A_184 = tpu.memref_squeeze %dma_start3A_183 : memref<1x16xf32, #tpu.memory_space<hbm>> -> memref<16xf32, #tpu.memory_space<hbm>>
      tpu.enqueue_dma source(%arg10 : memref<16xf32, #tpu.memory_space<vmem>>) target(%dma_start3A_184 : memref<16xf32, #tpu.memory_space<hbm>>) target_semaphore(%run_scoped3A : memref<!tpu.dma_semaphore, #tpu.memory_space<semaphore_mem>>)
      %dma_wait3A_185 = arith.constant 0 : i32
      %dma_wait3A_186 = tpu.memref_slice %arg5[%add3A, %dma_wait3A_185] : memref<32x16xf32, #tpu.memory_space<hbm>> -> memref<1x16xf32, #tpu.memory_space<hbm>>
      %dma_wait3A_187 = tpu.memref_squeeze %dma_wait3A_186 : memref<1x16xf32, #tpu.memory_space<hbm>> -> memref<16xf32, #tpu.memory_space<hbm>>
      %dma_wait3A_188 = arith.constant 0 : i32
      %dma_wait3A_189 = tpu.memref_slice %arg5[%add3A, %dma_wait3A_188] : memref<32x16xf32, #tpu.memory_space<hbm>> -> memref<1x16xf32, #tpu.memory_space<hbm>>
      %dma_wait3A_190 = tpu.memref_squeeze %dma_wait3A_189 : memref<1x16xf32, #tpu.memory_space<hbm>> -> memref<16xf32, #tpu.memory_space<hbm>>
      tpu.wait_dma2 semaphore(%run_scoped3A : memref<!tpu.dma_semaphore, #tpu.memory_space<semaphore_mem>>) src(%arg10 : memref<16xf32, #tpu.memory_space<vmem>>) dst(%dma_wait3A_190 : memref<16xf32, #tpu.memory_space<hbm>>)
      tpu.yield
    }) : () -> ()
    return
  }
}

module attributes {stable_mosaic.version = 14 : i64} {
  func.func @body(%arg0: memref<32x16xf32, #tpu.memory_space<vmem>>, %arg1: memref<1x1xf32, #tpu.memory_space<smem>>) attributes {dimension_semantics = [], scalar_prefetch = 0 : i64, scratch_operands = 0 : i64, tpu.core_type = #tpu.core_type<tc>} {
    %get3A = arith.constant 0 : index
    %get3A_0 = arith.constant 0 : index
    %get3A_1 = vector.load %arg0[%get3A, %get3A_0] : memref<32x16xf32, #tpu.memory_space<vmem>>, vector<32x16xf32>
    %reduce_sum3A = vector.shape_cast %get3A_1 : vector<32x16xf32> to vector<1x32x16xf32>
    %reduce_sum3A_2 = arith.constant dense<0.000000e+00> : vector<1xf32>
    %reduce_sum3A_3 = vector.multi_reduction <add>, %reduce_sum3A, %reduce_sum3A_2 [1, 2] : vector<1x32x16xf32> to vector<1xf32>
    %reduce_sum3A_4 = vector.shape_cast %reduce_sum3A_3 : vector<1xf32> to vector<1x1x1xf32>
    %reduce_sum3A_5 = vector.extract %reduce_sum3A_4[0, 0, 0] : f32 from vector<1x1x1xf32>
    %swap3A = arith.constant 0 : index
    %swap3A_6 = arith.constant 0 : index
    %swap3A_7 = memref.load %arg1[%swap3A, %swap3A_6] : memref<1x1xf32, #tpu.memory_space<smem>>
    memref.store %reduce_sum3A_5, %arg1[%swap3A, %swap3A_6] : memref<1x1xf32, #tpu.memory_space<smem>>
    return
  }
}

</mosaic_0001>

<sc_bundles>
// kernel: kernel.4.cloned.1.call-start
scs
__scs_entry_jumppad:
0x0: {  	(pc) =	sbr.rel $0x88, $3  }
0x1: {  	(tag) =	ssettag $0x0;
	lr =	simm.s32 $0x1  }
0x2: {  	[smem:$0x3F9E] =	sst lr;
	_ =	strace $0xD0000000  }
0x3: {  	_ = 	snop  }
0x4: {  	_ = 	snop  }
0x5: {  	_ = 	snop  }
0x6: {  	_ = 	snop  }
0x7: {  	_ = 	snop  }
__scs_overlays_trampoline_lowered:
0x8: {  	[smem:$0x3FAD] =	sst s0  }
0x9: {  	[smem:$0x3FAE] =	sst s1  }
0xa: {  	[smem:$0x3FAF] =	sst s2  }
0xb: {  	[smem:$0x3FB0] =	sst s3  }
0xc: {  	[smem:$0x3FB1] =	sst s4  }
0xd: {  	[smem:$0x3FB2] =	sst s5  }
0xe: {  	[smem:$0x3FB3] =	sst s6  }
0xf: {  	[smem:$0x3FB4] =	sst s7  }
0x10: {  	[smem:$0x3FB5] =	sst s8  }
0x11: {  	[smem:$0x3FB6] =	sst s9;
	s0 =	simm.s32 @!p0 $0x0  }
0x12: {  	s1 =	sld [smem:$0x3F9C];
	s0 =	simm.s32 @p0 $0x1  }
0x13: {  	[smem:$0x3FB7] =	sst s0;
	s0 =	simm.s32 @!p1 $0x0  }
0x14: {  	s2 =	sld [smem:$0x3F9B];
	s0 =	simm.s32 @p1 $0x1  }
0x15: {  	[smem:$0x3FB8] =	sst s0;
	s0 =	simm.s32 @!p2 $0x0  }
0x16: {  	s3 =	sld [smem:$0x3FDB];
	s0 =	simm.s32 @p2 $0x1  }
0x17: {  	s4 =	simm.s32 $0x1BF5;
	[smem:$0x3FBA] =	sst s0  }
0x18: {  	s0 =	sld [smem:$0x3F9D];
	_ =	swait.ge [sflag:s4], $0x0  }
0x19: {  	s7 =	sld [smem:$0x3F9E]  }
0x1a: {  	s8 =	sadd.s32 $0xFFFFE003, lr  }
0x1b: {  	s9 =	sadd.s32 $0xFFFFFEF7, lr;
	s5 =	simm.s32 $0xFFFFFFFF;
	p2 =	slt.u32 s8, $0xFFFFF086  }
0x1c: {  	p1 =	slt.u32 s9, $0xF7A;
	s5 =	simm.s32 @!p2 $0x0  }
0x1d: {  	s5 =	simm.s32 @p1 $0x1;
	p0 =	seq.s32 s7, s2  }
0x1e: {  	s7 =	smul.u32 @!p0 $0xF7A, s2;
	p2 =	seq.s32 @!p0 s5, $0x0  }
0x1f: {  	s9 =	smul.u32 $0xF7A, s1;
	s8 =	simm.s32 @!p0 $0x1BF5;
	p2 =	por !p2, p0  }
0x20: {  	[sflag:s8] =	ssyncset.s32 @!p0 $0xFFFFF086;
	s6 =	sadd.s32 @!p0 s3, s7;
	s7 =	simm.s32 @!p0 $0x108  }
0x21: {  	s3 =	sadd.s32 s3, s9;
	s6 =	sadd.s32 @!p0 $0x88, s6;
	s7 =	simm.s32 @p2 $0x1082  }
0x22: {  	[simem:s7], [sflag:s8] =	dma.local @!p0 [hbm:s6], $0xF7A  }
0x23: {  	s9 =	sor.u32 $0xD0000000, s2;
	s6 =	simm.s32 $0x108;
	_ =	swait.ge @!p0 [sflag:s8], $0x0  }
0x24: {  	s3 =	sadd.s32 $0x88, s3;
	s6 =	simm.s32 @!p1 $0x1082;
	[sflag:s4] =	ssyncset.s32 $0xFFFFF086  }
0x25: {  	[simem:s6], [sflag:s4] =	dma.local [hbm:s3], $0xF7A  }
0x26: {  	[smem:$0x3F9E] =	sst s1;
	(tag) =	ssettag s2;
	_ =	strace s9  }
0x27: {  	s1 =	sld [smem:$0x3FAE]  }
0x28: {  	s2 =	sld [smem:$0x3FAF]  }
0x29: {  	s4 =	sld [smem:$0x3FB1]  }
0x2a: {  	p0 =	seq.s32 s5, $0x0;
	s5 =	sld [smem:$0x3FB2]  }
0x2b: {  	s6 =	sld [smem:$0x3FB3]  }
0x2c: {  	s7 =	sld [smem:$0x3FB4]  }
0x2d: {  	s3 =	simm.s32 $0x108;
	s8 =	sld [smem:$0x3FB5]  }
0x2e: {  	s3 =	simm.s32 @!p0 $0x1082;
	s9 =	sld [smem:$0x3FB6]  }
0x2f: {  	lr =	sadd.s32 s0, s3;
	s0 =	sld [smem:$0x3FAD]  }
0x30: {  	s3 =	sld [smem:$0x3FB0]  }
0x31: {  	[smem:$0x3FB9] =	sst s10  }
0x32: {  	s10 =	sld [smem:$0x3FB7];
	_ =	sdelay $0x3  }
0x33: {  	p0 =	seq.s32 s10, $0x1;
	s10 =	sld [smem:$0x3FB9];
	_ =	sdelay $0x3  }
0x34: {  	[smem:$0x3FB9] =	sst s10  }
0x35: {  	s10 =	sld [smem:$0x3FB8];
	_ =	sdelay $0x3  }
0x36: {  	p1 =	seq.s32 s10, $0x1;
	s10 =	sld [smem:$0x3FB9];
	_ =	sdelay $0x3  }
0x37: {  	[smem:$0x3FB9] =	sst s10  }
0x38: {  	s10 =	sld [smem:$0x3FBA]  }
0x39: {  	_ = 	snop;
	(pc) =	sbr.ind lr, $3  }
0x3a: {  	_ = 	snop  }
0x3b: {  	_ = 	snop  }
0x3c: {  	p2 =	seq.s32 s10, $0x1;
	s10 =	sld [smem:$0x3FB9]  }
0x3d: {  	_ =	shalt  }
0x3e: {  	_ =	shalt  }
0x3f: {  	_ =	shalt  }
0x40: {  	_ =	shalt  }
0x41: {  	_ =	shalt  }
0x42: {  	_ =	shalt  }
0x43: {  	_ =	shalt  }
0x44: {  	_ =	shalt  }
0x45: {  	_ =	shalt  }
0x46: {  	_ =	shalt  }
0x47: {  	_ =	shalt  }
0x48: {  	_ =	shalt  }
0x49: {  	_ =	shalt  }
0x4a: {  	_ =	shalt  }
0x4b: {  	_ =	shalt  }
0x4c: {  	_ =	shalt  }
0x4d: {  	_ =	shalt  }
0x4e: {  	_ =	shalt  }
0x4f: {  	_ =	shalt  }
0x50: {  	_ =	shalt  }
0x51: {  	_ =	shalt  }
0x52: {  	_ =	shalt  }
0x53: {  	_ =	shalt  }
0x54: {  	_ =	shalt  }
0x55: {  	_ =	shalt  }
0x56: {  	_ =	shalt  }
0x57: {  	_ =	shalt  }
0x58: {  	_ =	shalt  }
0x59: {  	_ =	shalt  }
0x5a: {  	_ =	shalt  }
0x5b: {  	_ =	shalt  }
0x5c: {  	_ =	shalt  }
0x5d: {  	_ =	shalt  }
0x5e: {  	_ =	shalt  }
0x5f: {  	_ =	shalt  }
0x60: {  	_ =	shalt  }
0x61: {  	_ =	shalt  }
0x62: {  	_ =	shalt  }
0x63: {  	_ =	shalt  }
0x64: {  	_ =	shalt  }
0x65: {  	_ =	shalt  }
0x66: {  	_ =	shalt  }
0x67: {  	_ =	shalt  }
0x68: {  	_ =	shalt  }
0x69: {  	_ =	shalt  }
0x6a: {  	_ =	shalt  }
0x6b: {  	_ =	shalt  }
0x6c: {  	_ =	shalt  }
0x6d: {  	_ =	shalt  }
0x6e: {  	_ =	shalt  }
0x6f: {  	_ =	shalt  }
0x70: {  	_ =	shalt  }
0x71: {  	_ =	shalt  }
0x72: {  	_ =	shalt  }
0x73: {  	_ =	shalt  }
0x74: {  	_ =	shalt  }
0x75: {  	_ =	shalt  }
0x76: {  	_ =	shalt  }
0x77: {  	_ =	shalt  }
0x78: {  	_ =	shalt  }
0x79: {  	_ =	shalt  }
0x7a: {  	_ =	shalt  }
0x7b: {  	_ =	shalt  }
0x7c: {  	_ =	shalt  }
0x7d: {  	_ =	shalt  }
0x7e: {  	_ =	shalt  }
0x7f: {  	_ =	shalt  }
0x80: {  	_ =	shalt  }
0x81: {  	_ =	shalt  }
0x82: {  	_ =	shalt  }
0x83: {  	_ =	shalt  }
0x84: {  	_ =	shalt  }
0x85: {  	_ =	shalt  }
0x86: {  	_ =	shalt  }
0x87: {  	_ =	shalt  }
.Lfunc_end0:
.L_simem_size_0:
called_computation.1_lowered:
.L_overlay_start_0:
0x88: {  	s2 =	sld [smem:$0x3FD9]  }
0x89: {  	s3 =	sld [smem:$0x3FFE];
	_ =	sdelay $0x1  }
0x8a: {  	s1 =	srdreg.scid  }
0x8b: {  	s0 =	sand.u32 $0x1, s1  }
0x8c: {  	s14 =	sshll.u32 s0, $0xA;
	s2 =	sadd.s32 s3, s2  }
0x8d: {  	s2 =	sadd.s32 s2, s14  }
0x8e: {  	[smem:$0x3FC5] =	sst s2  }
0x8f: {  	_ = 	snop  }
0x90: {  	s2 =	sld [smem:$0x3FD0];
	_ =	sdelay $0x2  }
0x91: {  	s4 =	simm.s32 $0xA;
	s5 =	simm.s32 $0x10;
	s15 =	sld [smem:$0x3FC8]  }
0x92: {  	[smem:s5], [sflag:s4] =	dma.local [hbm:s2], $0x1  }
0x93: {  	_ =	swait.eq [sflag:s4], $0x1  }
0x94: {  	[sflag:s4] =	ssyncset.done $0x0  }
0x95: {  	[sflag:s4] =	ssyncadd.s32 $0xFFFFFFFF  }
0x96: {  	s16 =	sld [smem:$0x11];
	(tm) =	ssettm $0x1  }
0x97: {  	s17 =	sld [smem:$0x3FFB];
	_ =	sdelay $0x3  }
0x98: {  	_ =	strace s17  }
0x99: {  	s4 =	sld [smem:$0x3FFC];
	_ =	sdelay $0x3  }
0x9a: {  	_ =	strace s4  }
0x9b: {  	s4 =	sld [smem:$0x3FFD];
	_ =	sdelay $0x3  }
0x9c: {  	_ =	strace s4  }
0x9d: {  	_ =	strace $0x8FFFFFFF  }
0x9e: {  	s18 =	sld [smem:$0x3FDB];
	_ =	sdelay $0x1  }
0x9f: {  	s19 =	simm.s32 $_scs_section_size  }
0xa0: {  	s6 =	simm.s32 $_size__tile_overlayer_lowered;
	s7 =	simm.s32 $_tile_overlayer_lowered  }
0xa1: {  	s22 =	simm.s32 $0x1BFF;
	s21 =	sshll.u32 s7, $0x1;
	s4 =	sadd.s32 s19, s18  }
0xa2: {  	s8 =	simm.s32 $0x0;
	s20 =	sshll.u32 s6, $0x1;
	s6 =	sadd.s32 s21, s4  }
0xa3: {  	[timem:s8], [sflag:s22] =	dma.local [hbm:s6], s20  }
0xa4: {  	_ =	swait.ge [sflag:s22], s20  }
0xa5: {  	s5 =	ssub.s32 $0x0, s20;
	[sflag:s22] =	ssyncset.done $0x0  }
0xa6: {  	[sflag:s22] =	ssyncadd.s32 s5;
	_ =	sdelay $0x1  }
0xa7: {  	s23 =	simm.s32 $0x1B8B  }
0xa8: {  	_ =	swait.ge [sflag:s23], $0x1  }
0xa9: {  	[sflag:s23] =	ssyncset.done $0x0  }
0xaa: {  	s25 =	simm.s32 $0x1B8E;
	s24 =	sld [smem:$0x3FFE];
	[sflag:s23] =	ssyncadd.s32 $0xFFFFFFFF  }
0xab: {  	s26 =	simm.s32 $execute0_lowered;
	[smem:$0x3FD2] =	sst s25  }
0xac: {  	s6 =	sshll.u32 s26, $0x1;
	_ =	strace $0x80000046;
	[dreg:$0x1] =	wrdreg $0xFFFFFFFF  }
0xad: {  	s28 =	simm.s32 $_size_execute0_lowered;
	s4 =	sadd.s32 s4, s6;
	[dreg:$0x0] =	wrdreg $0x0  }
0xae: {  	s6 =	sshll.u32 s28, $0x1;
	[dreg:$0x2] =	wrdreg s4  }
0xaf: {  	[dreg:$0x3] =	wrdreg s6  }
0xb0: {  	[dreg:$0x4] =	wrdreg $0xC0  }
0xb1: {  	_ =	task [dreg:s8], $0x5FFFF  }
0xb2: {  	[dreg:$0x1] =	wrdreg $0xFFFFFFFF  }
0xb3: {  	[dreg:$0x0] =	wrdreg $0x60  }
0xb4: {  	[dreg:$0x2] =	wrdreg s24  }
0xb5: {  	[dreg:$0x3] =	wrdreg s15  }
0xb6: {  	[dreg:$0x4] =	wrdreg s16  }
0xb7: {  	[dreg:$0x5] =	wrdreg $0x9  }
0xb8: {  	_ =	task.clear_ibuf [dreg:s8], $0x6FFFF;
	_ =	strace $0x90000046  }
0xb9: {  	s29 =	simm.s32 $0x9;
	_ =	strace $0x80000048  }
0xba: {  	_ =	swait.ge [sflag:s29], $0x1  }
0xbb: {  	[sflag:s29] =	ssyncadd.s32 $0xFFFFFFFF  }
0xbc: {  	_ =	strace $0x90000048  }
0xbd: {  	_ =	sfence  }
0xbe: {  	s30 =	sld [smem:$0x0];
	_ =	sdelay $0x2  }
0xbf: {  	s31 =	sshll.u32 s1, $0xD;
	s1 =	sshrl.u32 s1, $0x2  }
0xc0: {  	s3 =	sand.u32 $0x4000, s31;
	s1 =	sadd.s32 s1, s30  }
0xc1: {  	s0 =	sor.u32 s3, s0;
	s1 =	sshll.u32 s1, $0x11  }
0xc2: {  	s0 =	sor.u32 s1, s0  }
0xc3: {  	s0 =	sadd.s32 $0x8F2B, s0  }
0xc4: {  	[sflag:s0] =	ssyncadd.remote.s32 $0x1  }
0xc5: {  	_ =	sfence.sel $0xFFFF  }
0xc6: {  	[dreg:$0x0] =	wrdreg $0xFFFFFFFF;
	(pc) =	sbr.abs _section_cstart, $3  }
0xc7: {  	[dreg:$0x1] =	wrdreg $0xFFFFFFFF  }
0xc8: {  	_ =	task.clear_ibuf [dreg:s8], $0x2FFFF;
	_ =	strace $0x9FFFFFFF  }
0xc9: {  	(tm) =	ssettm $0x7FFFFFFF  }
tec
execute0_lowered:
.L_overlay_start_1:
0x0: {  	(tag) =	ssettag $0x1  }
0x1: {  	s4 =	rddreg [dreg:$0x0]  }
0x2: {  	s5 =	rddreg [dreg:$0x1]  }
0x3: {  	s2 =	rddreg [dreg:$0x2]  }
0x4: {  	s0 =	rddreg [dreg:$0x3]  }
0x5: {  	s6 =	srdreg.scid;
	s1 =	stileid.u32;
	s3 =	simm.s32 $0x0  }
0x6: {  	s11 =	simm.s32 $0x2200;
	s12 =	simm.s32 $0x100;
	s13 =	simm.s32 $0x4200  }
0x7: {  	s14 =	simm.s32 $0x180;
	s15 =	simm.s32 $0x6200;
	s16 =	simm.s32 $0x8200  }
0x8: {  	s17 =	simm.s32 $0x1;
	s18 =	simm.s32 $0x2;
	s19 =	simm.s32 $0x10200  }
0x9: {  	s6 =	sand.u32 $0x1, s6;
	s7 =	sshll.u32 s1, $0x1;
	[smem:$0x7FF] =	sst s3  }
0xa: {  	s20 =	simm.s32 $0x0;
	s7 =	sor.u32 s6, s7;
	_ =	strace $0x80000047  }
0xb: {  	s6 =	ssub.s32 $0x2, s6;
	s8 =	sshll.u32 s7, $0xC;
	s9 =	sshll.u32 s7, $0x1  }
0xc: {  	s31 =	sshrl.u32 s6, $0x1;
	s7 =	sshll.u32 s7, $0x6;
	s8 =	sadd.s32 s8, s4  }
0xd: {  	s9 =	sadd.s32 s9, s4;
	s10 =	ssub.s32 s6, s31;
	s4 =	sadd.s32 s5, s7  }
0xe: {  	s5 =	sadd.s32 $0x1000, s8;
	s6 =	sadd.s32 $0x21000, s9;
	s7 =	smax.u32 s10, $0x1  }
0xf: {  	v0 =	vimm.f32 $0.0e+00;
	s8 =	simm.s32 $0x3;
	s9 =	simm.s32 $0x80;
	s10 =	simm.s32 $0x200  }
.LBB2_1:
0x10: {  	[tilespmem:$0x10200] =	vst v0  }
0x11: {  	[tilespmem:s3], [sflag:$0x3] =	stream.linear.gather [hbm4b:s4+s3], $0x200, $0x38;
	[tilespmem:$0x10210] =	vst v63  }
0x12: {  	_ =	swait.ge [sflag:s8], $0x200  }
0x13: {  	[sflag:s8] =	ssyncset.done $0x0  }
0x14: {  	[sflag:s8] =	ssyncadd.s32 $0xFFFFFE00  }
0x15: {  	[tilespmem:s10], [sflag:$0x1] =	stream.indirect.gather [hbm4b:s2+s9], $0x40, s3, s9, $0xb8;
	[tilespmem:$0x10210] =	vst v63  }
0x16: {  	_ = 	snop  }
0x17: {  	[tilespmem:s11], [sflag:$0x1] =	stream.indirect.gather [hbm4b:s2+s9], $0x40, s9, s9, $0xb8;
	[tilespmem:$0x10210] =	vst v63  }
0x18: {  	_ = 	snop  }
0x19: {  	[tilespmem:s13], [sflag:$0x1] =	stream.indirect.gather [hbm4b:s2+s9], $0x40, s12, s9, $0xb8;
	[tilespmem:$0x10210] =	vst v63  }
0x1a: {  	_ = 	snop  }
0x1b: {  	[tilespmem:s15], [sflag:$0x1] =	stream.indirect.gather [hbm4b:s2+s9], $0x40, s14, s9, $0xb8;
	[tilespmem:$0x10210] =	vst v63  }
0x1c: {  	_ = 	snop  }
0x1d: {  	[tilespmem:s16], [sflag:$0x2] =	stream.linear.gather [hbm4b:s5+s3], $0x8000, $0x38;
	[tilespmem:$0x10210] =	vst v63  }
0x1e: {  	_ =	swait.ge [sflag:s17], $0x2000  }
0x1f: {  	[sflag:s17] =	ssyncset.done $0x0  }
0x20: {  	[sflag:s17] =	ssyncadd.s32 $0xFFFFE000  }
0x21: {  	_ =	swait.ge [sflag:s17], $0x2000  }
0x22: {  	[sflag:s17] =	ssyncset.done $0x0  }
0x23: {  	[sflag:s17] =	ssyncadd.s32 $0xFFFFE000  }
0x24: {  	_ =	swait.ge [sflag:s17], $0x2000  }
0x25: {  	[sflag:s17] =	ssyncset.done $0x0  }
0x26: {  	[sflag:s17] =	ssyncadd.s32 $0xFFFFE000  }
0x27: {  	_ =	swait.ge [sflag:s17], $0x2000  }
0x28: {  	[sflag:s17] =	ssyncset.done $0x0  }
0x29: {  	[sflag:s17] =	ssyncadd.s32 $0xFFFFE000  }
0x2a: {  	_ =	swait.ge [sflag:s18], $0x8000  }
0x2b: {  	[sflag:s18] =	ssyncset.done $0x0  }
0x2c: {  	s21 =	simm.s32 $0x0;
	[sflag:s18] =	ssyncadd.s32 $0xFFFF8000  }
0x2d: {  	v1 =	vld [tilespmem:s21+$0x200]  }
0x2e: {  	v2 =	vld [tilespmem:s21+$0x8200];
	_ =	sdelay $0x3  }
0x2f: {  	v3 =	vld [tilespmem:$0x10200]  }
0x30: {  	v2 =	vsub.f32 v2, v1;
	_ =	sdelay $0x1  }
0x31: {  	v4 =	vmul.f32 v2, v2  }
0x32: {  	v2 =	vmul.f32 $9.999999770e-03, v2  }
0x33: {  	v3 =	vadd.f32 v4, v3  }
0x34: {  	v1 =	vadd.f32 v2, v1  }
0x35: {  	[tilespmem:$0x10200] =	vst v3  }
0x36: {  	[tilespmem:s21+$0x200] =	vst v1;
	v1 =	vld [tilespmem:s21+$0x210]  }
0x37: {  	v2 =	vld [tilespmem:s21+$0x8210];
	_ =	sdelay $0x3  }
0x38: {  	v3 =	vld [tilespmem:$0x10200]  }
0x39: {  	v2 =	vsub.f32 v2, v1;
	_ =	sdelay $0x1  }
0x3a: {  	v4 =	vmul.f32 v2, v2  }
0x3b: {  	v2 =	vmul.f32 $9.999999770e-03, v2  }
0x3c: {  	v3 =	vadd.f32 v4, v3  }
0x3d: {  	v1 =	vadd.f32 v2, v1  }
0x3e: {  	[tilespmem:$0x10200] =	vst v3  }
0x3f: {  	[tilespmem:s21+$0x210] =	vst v1;
	v1 =	vld [tilespmem:s21+$0x220]  }
0x40: {  	v2 =	vld [tilespmem:s21+$0x8220];
	_ =	sdelay $0x3  }
0x41: {  	v3 =	vld [tilespmem:$0x10200]  }
0x42: {  	v2 =	vsub.f32 v2, v1;
	_ =	sdelay $0x1  }
0x43: {  	v4 =	vmul.f32 v2, v2  }
0x44: {  	v2 =	vmul.f32 $9.999999770e-03, v2  }
0x45: {  	v3 =	vadd.f32 v4, v3  }
0x46: {  	v1 =	vadd.f32 v2, v1  }
0x47: {  	[tilespmem:$0x10200] =	vst v3  }
0x48: {  	[tilespmem:s21+$0x220] =	vst v1;
	v1 =	vld [tilespmem:s21+$0x230]  }
0x49: {  	v3 =	vld [tilespmem:s21+$0x8230];
	_ =	sdelay $0x3  }
0x4a: {  	v2 =	vld [tilespmem:$0x10200]  }
0x4b: {  	s22 =	simm.s32 $0x100;
	v3 =	vsub.f32 v3, v1  }
.LBB2_2:
0x4c: {  	_ = 	snop  }
0x4d: {  	p0 =	sne.s32 s22, $0x1FF00;
	s23 =	smov.u32 s22;
	s22 =	sadd.s32 $0x100, s22;
	v4 =	vmul.f32 v3, v3;
	v3 =	vmul.f32 $9.999999770e-03, v3  }
0x4e: {  	_ = 	snop  }
0x4f: {  	v2 =	vadd.f32 v4, v2;
	v1 =	vadd.f32 v3, v1  }
0x50: {  	s23 =	sshra.s32 s23, $0x2  }
0x51: {  	[tilespmem:$0x10200] =	vst v2  }
0x52: {  	v2 =	vld [tilespmem:s23+$0x200];
	[tilespmem:s21+$0x230] =	vst v1;
	s21 =	smov.u32 s23  }
0x53: {  	v1 =	vld [tilespmem:s21+$0x8200];
	_ =	sdelay $0x3  }
0x54: {  	v3 =	vld [tilespmem:$0x10200]  }
0x55: {  	v1 =	vsub.f32 v1, v2;
	_ =	sdelay $0x1  }
0x56: {  	v4 =	vmul.f32 v1, v1  }
0x57: {  	v1 =	vmul.f32 $9.999999770e-03, v1  }
0x58: {  	v3 =	vadd.f32 v4, v3  }
0x59: {  	v1 =	vadd.f32 v1, v2  }
0x5a: {  	[tilespmem:$0x10200] =	vst v3  }
0x5b: {  	[tilespmem:s21+$0x200] =	vst v1;
	v1 =	vld [tilespmem:s21+$0x210]  }
0x5c: {  	v2 =	vld [tilespmem:s21+$0x8210];
	_ =	sdelay $0x3  }
0x5d: {  	v3 =	vld [tilespmem:$0x10200]  }
0x5e: {  	v2 =	vsub.f32 v2, v1;
	_ =	sdelay $0x1  }
0x5f: {  	v4 =	vmul.f32 v2, v2  }
0x60: {  	v2 =	vmul.f32 $9.999999770e-03, v2  }
0x61: {  	v3 =	vadd.f32 v4, v3  }
0x62: {  	v1 =	vadd.f32 v2, v1  }
0x63: {  	[tilespmem:$0x10200] =	vst v3  }
0x64: {  	[tilespmem:s21+$0x210] =	vst v1;
	v1 =	vld [tilespmem:s21+$0x220]  }
0x65: {  	v2 =	vld [tilespmem:s21+$0x8220];
	_ =	sdelay $0x3  }
0x66: {  	v3 =	vld [tilespmem:$0x10200]  }
0x67: {  	v2 =	vsub.f32 v2, v1;
	_ =	sdelay $0x1  }
0x68: {  	v4 =	vmul.f32 v2, v2;
	v2 =	vmul.f32 $9.999999770e-03, v2;
	_ =	sdelay $0x1  }
0x69: {  	v3 =	vadd.f32 v4, v3;
	v1 =	vadd.f32 v2, v1;
	_ =	sdelay $0x1  }
0x6a: {  	[tilespmem:$0x10200] =	vst v3  }
0x6b: {  	[tilespmem:s21+$0x220] =	vst v1;
	v1 =	vld [tilespmem:s21+$0x230]  }
0x6c: {  	v3 =	vld [tilespmem:s21+$0x8230]  }
.Ltmp0:
0x6d: {  	v2 =	vld [tilespmem:$0x10200];
	(pc) =	sbr.rel @p0 .LBB2_2-.Ltmp0, $2  }
0x6e: {  	_ =	sdelay $0x2  }
0x6f: {  	v3 =	vsub.f32 v3, v1  }
0x70: {  	_ = 	snop  }
0x71: {  	v4 =	vmul.f32 v3, v3  }
0x72: {  	v3 =	vmul.f32 $9.999999770e-03, v3  }
0x73: {  	v2 =	vadd.f32 v4, v2  }
0x74: {  	v1 =	vadd.f32 v3, v1  }
0x75: {  	[tilespmem:$0x10200] =	vst v2  }
0x76: {  	[tilespmem:s21+$0x230] =	vst v1  }
0x77: {  	[hbm4b:s2+s9] =	stream.indirect.scatter [tilespmem:s10], [sflag:$0x1], $0x40, s3, s9, $0xb8;
	[tilespmem:$0x10210] =	vst v63  }
0x78: {  	_ = 	snop  }
0x79: {  	[hbm4b:s2+s9] =	stream.indirect.scatter [tilespmem:s11], [sflag:$0x1], $0x40, s9, s9, $0xb8;
	[tilespmem:$0x10210] =	vst v63  }
0x7a: {  	_ = 	snop  }
0x7b: {  	[hbm4b:s2+s9] =	stream.indirect.scatter [tilespmem:s13], [sflag:$0x1], $0x40, s12, s9, $0xb8;
	[tilespmem:$0x10210] =	vst v63  }
0x7c: {  	_ = 	snop  }
0x7d: {  	[hbm4b:s2+s9] =	stream.indirect.scatter [tilespmem:s15], [sflag:$0x1], $0x40, s14, s9, $0xb8;
	[tilespmem:$0x10210] =	vst v63  }
0x7e: {  	_ =	swait.ge [sflag:s17], $0x2000  }
0x7f: {  	[sflag:s17] =	ssyncset.done $0x0  }
0x80: {  	[sflag:s17] =	ssyncadd.s32 $0xFFFFE000  }
0x81: {  	_ =	swait.ge [sflag:s17], $0x2000  }
0x82: {  	[sflag:s17] =	ssyncset.done $0x0  }
0x83: {  	[sflag:s17] =	ssyncadd.s32 $0xFFFFE000  }
0x84: {  	_ =	swait.ge [sflag:s17], $0x2000  }
0x85: {  	[sflag:s17] =	ssyncset.done $0x0  }
0x86: {  	[sflag:s17] =	ssyncadd.s32 $0xFFFFE000  }
0x87: {  	s20 =	sadd.s32 $0x1, s20;
	_ =	swait.ge [sflag:s17], $0x2000  }
0x88: {  	p0 =	sne.s32 s20, s7;
	[sflag:s17] =	ssyncset.done $0x0  }
.Ltmp1:
0x89: {  	[sflag:s17] =	ssyncadd.s32 $0xFFFFE000;
	(pc) =	sbr.rel @p0 .LBB2_1-.Ltmp1, $4  }
0x8a: {  	[hbm4b:s6+s3] =	stream.linear.scatter [tilespmem:s19], [sflag:$0x3], $0x10, $0x38;
	[tilespmem:$0x10210] =	vst v63  }
0x8b: {  	_ =	swait.ge [sflag:s8], $0x10  }
0x8c: {  	[sflag:s8] =	ssyncset.done $0x0  }
0x8d: {  	[sflag:s8] =	ssyncadd.s32 $0xFFFFFFF0  }
0x8e: {  	_ =	sfence.sel $0x180000  }
0x8f: {  	[bflag:$0x0] =	sbarrier.arrive $0xFFFF  }
0x90: {  	p0 =	sne.s32 s1, $0x0;
	_ =	strace $0x90000047  }
0x91: {  	s0 =	sadd.s32 @!p0 $0x100000, s0;
	[bflag:$0x2] =	sbarrier.arrive $0xFFFF  }
0x92: {  	[sflag:s0] =	ssyncadd.tile.s32 @!p0 $0x1;
	_ =	shalt  }
.Lfunc_end2:
_tile_overlayer_lowered:
.L_overlay_start_2:
0x93: {  	(tag) =	ssettag $0x2  }
0x94: {  	s0 =	rddreg [dreg:$0x0];
	s2 =	stileid.u32  }
0x95: {  	s1 =	rddreg [dreg:$0x1];
	p0 =	sne.s32 s2, $0x0  }
0x96: {  	s3 =	rddreg [dreg:$0x2];
	[bflag:$0x3] =	sbarrier.arrive $0xFFFF;
	s2 =	simm.s32 @!p0 $0x1C03  }
0x97: {  	[timem:s3], [sflag:s2] =	dma.local @!p0 [hbm:s0], s1  }
0x98: {  	s0 =	simm.s32 @!p0 $0x3  }
0x99: {  	_ =	swait.ge @!p0 [sflag:s0], s1  }
0x9a: {  	s1 =	ssub.s32 @!p0 $0x0, s1;
	[sflag:s0] =	ssyncset.done @!p0 $0x0  }
0x9b: {  	[sflag:s0] =	ssyncadd.s32 @!p0 s1  }
0x9c: {  	[bflag:$0x3] =	sbarrier.arrive $0xFFFF  }
0x9d: {  	_ =	shalt  }

// kernel: sparse-core-data-format-call.cloned.1.call-start
scs
called_computation_lowered:
.L_overlay_start_0:
0x0: {  	s2 =	sld [smem:$0x3FD9]  }
0x1: {  	s3 =	sld [smem:$0x3FFE];
	_ =	sdelay $0x1  }
0x2: {  	s1 =	srdreg.scid  }
0x3: {  	s0 =	sand.u32 $0x1, s1  }
0x4: {  	s15 =	sshll.u32 s0, $0xA;
	s2 =	sadd.s32 s3, s2  }
0x5: {  	s2 =	sadd.s32 s2, s15  }
0x6: {  	[smem:$0x3FC5] =	sst s2  }
0x7: {  	_ = 	snop  }
0x8: {  	s2 =	sld [smem:$0x3FD0];
	_ =	sdelay $0x2  }
0x9: {  	s16 =	simm.s32 $0xA;
	s4 =	simm.s32 $0x10  }
0xa: {  	[smem:s4], [sflag:s16] =	dma.local [hbm:s2], $0x1  }
0xb: {  	_ =	swait.eq [sflag:s16], $0x1  }
0xc: {  	[sflag:s16] =	ssyncset.done $0x0  }
0xd: {  	[sflag:s16] =	ssyncadd.s32 $0xFFFFFFFF  }
0xe: {  	s17 =	sld [smem:$0x11];
	(tm) =	ssettm $0x1  }
0xf: {  	s18 =	sld [smem:$0x3FFB];
	_ =	sdelay $0x3  }
0x10: {  	_ =	strace s18  }
0x11: {  	s3 =	sld [smem:$0x3FFC];
	_ =	sdelay $0x3  }
0x12: {  	_ =	strace s3  }
0x13: {  	s3 =	sld [smem:$0x3FFD];
	_ =	sdelay $0x3  }
0x14: {  	_ =	strace s3  }
0x15: {  	_ =	strace $0x8FFFFFFF  }
0x16: {  	s19 =	sld [smem:$0x3FDB];
	_ =	sdelay $0x1  }
0x17: {  	s20 =	simm.s32 $_scs_section_size  }
0x18: {  	s5 =	simm.s32 $_size__tile_overlayer_lowered;
	s6 =	simm.s32 $_tile_overlayer_lowered  }
0x19: {  	s23 =	simm.s32 $0x1BFF;
	s22 =	sshll.u32 s6, $0x1;
	s3 =	sadd.s32 s20, s19  }
0x1a: {  	s7 =	simm.s32 $0x0;
	s21 =	sshll.u32 s5, $0x1;
	s5 =	sadd.s32 s22, s3  }
0x1b: {  	[timem:s7], [sflag:s23] =	dma.local [hbm:s5], s21  }
0x1c: {  	_ =	swait.ge [sflag:s23], s21  }
0x1d: {  	s4 =	ssub.s32 $0x0, s21;
	[sflag:s23] =	ssyncset.done $0x0  }
0x1e: {  	[sflag:s23] =	ssyncadd.s32 s4;
	_ =	sdelay $0x1  }
0x1f: {  	s24 =	simm.s32 $0x1B8B  }
0x20: {  	_ =	swait.ge [sflag:s24], $0x1  }
0x21: {  	[sflag:s24] =	ssyncset.done $0x0  }
0x22: {  	s26 =	simm.s32 $0x1B8E;
	s25 =	sld [smem:$0x3FFE];
	[sflag:s24] =	ssyncadd.s32 $0xFFFFFFFF  }
0x23: {  	s27 =	simm.s32 $execute0_lowered;
	[smem:$0x3FD2] =	sst s26  }
0x24: {  	s5 =	sshll.u32 s27, $0x1;
	_ =	strace $0x80000049;
	[dreg:$0x1] =	wrdreg $0xFFFFFFFF  }
0x25: {  	s28 =	simm.s32 $_size_execute0_lowered;
	s3 =	sadd.s32 s3, s5;
	[dreg:$0x0] =	wrdreg $0x0  }
0x26: {  	s5 =	sshll.u32 s28, $0x1;
	[dreg:$0x2] =	wrdreg s3  }
0x27: {  	[dreg:$0x3] =	wrdreg s5  }
0x28: {  	[dreg:$0x4] =	wrdreg $0xC0  }
0x29: {  	_ =	task [dreg:s7], $0x5FFFF  }
0x2a: {  	[dreg:$0x1] =	wrdreg $0xFFFFFFFF  }
0x2b: {  	[dreg:$0x0] =	wrdreg $0x60  }
0x2c: {  	[dreg:$0x2] =	wrdreg s25  }
0x2d: {  	[dreg:$0x3] =	wrdreg s17  }
0x2e: {  	[dreg:$0x4] =	wrdreg $0x9  }
0x2f: {  	_ =	task.clear_ibuf [dreg:s7], $0x5FFFF;
	_ =	strace $0x90000049  }
0x30: {  	s29 =	simm.s32 $0x9;
	_ =	strace $0x8000004B  }
0x31: {  	_ =	swait.ge [sflag:s29], $0x1  }
0x32: {  	[sflag:s29] =	ssyncadd.s32 $0xFFFFFFFF  }
0x33: {  	_ =	strace $0x9000004B  }
0x34: {  	_ =	sfence  }
0x35: {  	s30 =	sld [smem:$0x0];
	_ =	sdelay $0x2  }
0x36: {  	s31 =	sshll.u32 s1, $0xD;
	s1 =	sshrl.u32 s1, $0x2  }
0x37: {  	s3 =	sand.u32 $0x4000, s31;
	s1 =	sadd.s32 s1, s30  }
0x38: {  	s0 =	sor.u32 s3, s0;
	s1 =	sshll.u32 s1, $0x11  }
0x39: {  	s0 =	sor.u32 s1, s0  }
0x3a: {  	s0 =	sadd.s32 $0x8F2B, s0  }
0x3b: {  	[sflag:s0] =	ssyncadd.remote.s32 $0x1  }
0x3c: {  	_ =	sfence.sel $0xFFFF  }
0x3d: {  	[dreg:$0x0] =	wrdreg $0xFFFFFFFF;
	(pc) =	sbr.abs _section_cstart, $3  }
0x3e: {  	[dreg:$0x1] =	wrdreg $0xFFFFFFFF  }
0x3f: {  	_ =	task.clear_ibuf [dreg:s7], $0x2FFFF;
	_ =	strace $0x9FFFFFFF  }
0x40: {  	(tm) =	ssettm $0x7FFFFFFF  }
0x41: {  	_ =	shalt  }
tec
execute0_lowered:
.L_overlay_start_1:
0x0: {  	(tag) =	ssettag $0x1  }
0x1: {  	s4 =	rddreg [dreg:$0x0]  }
0x2: {  	s0 =	srdreg.scid;
	s2 =	rddreg [dreg:$0x1]  }
0x3: {  	s1 =	stileid.u32;
	s5 =	simm.s32 $0x1;
	s0 =	sshll.u32 s0, $0x4  }
0x4: {  	s7 =	simm.s32 $0x2;
	s11 =	simm.s32 $0x0;
	s3 =	sand.u32 $0x10, s0  }
.Ltmp0:
0x5: {  	p0 =	por $0x0, $0x0;
	s3 =	sor.u32 s1, s3;
	(pc) =	sbr.rel .LBB1_1-.Ltmp0, $4  }
0x6: {  	s8 =	simm.s32 $0x7A1400;
	s10 =	simm.s32 $0x0;
	s3 =	sshll.u32 s3, $0x7  }
0x7: {  	s0 =	rddreg [dreg:$0x2];
	_ =	strace $0x8000004A;
	s6 =	ssub.s32 $0xF4200, s3  }
0x8: {  	s4 =	sadd.s32 $0x21200, s4;
	[sflag:s5] =	ssyncpa.u1 $0x0;
	s6 =	sshrl.u32 s6, $0xC  }
0x9: {  	[sflag:s7] =	ssyncpa.u1 $0x0;
	s9 =	smov.u32 s3;
	s7 =	sadd.s32 $0x2, s6  }
.LBB1_5:
0xa: {  	s13 =	sadd.s32 $0x1000, s9  }
0xb: {  	p2 =	sgt.s32 s13, $0xF423F  }
0xc: {  	s13 =	smov.u32 @p2 s3;
	p2 =	sne.s32 s10, s7  }
.Ltmp1:
0xd: {  	p1 =	slt.u32 s10, $0x2;
	(pc) =	sbr.rel @!p2 .LBB1_6-.Ltmp1, $4  }
0xe: {  	s12 =	simm.s32 @!p1 $0x2  }
0xf: {  	s14 =	sadd.s32 $0x1, s10;
	_ =	swait.ge @!p1 [sflag:s12], $0x2000  }
0x10: {  	s11 =	smov.u32 s9;
	p0 =	por !p0, !p0;
	[sflag:s12] =	ssyncset.done @!p1 $0x0  }
0x11: {  	s10 =	smov.u32 s14;
	s9 =	smov.u32 s13;
	[sflag:s12] =	ssyncadd.s32 @!p1 $0xFFFFE000  }
.LBB1_1:
0x12: {  	p1 =	sgt.u32 s10, s6  }
0x13: {  	s13 =	smov.u32 s9;
	p2 =	sgt.s32 @!p1 s9, $0xF41C0  }
0x14: {  	s12 =	sand.u32 @!p1 $0x1FFFFFF, s9;
	s14 =	sshra.s32 @!p1 s9, $0x1F;
	p2 =	por !p2, p1  }
0x15: {  	s15 =	smulhi.u32 @!p1 $0x218DEF5, s12;
	s14 =	sand.u32 @!p1 s14, s9;
	s13 =	simm.s32 @p2 $0xF41C0  }
0x16: {  	s13 =	ssub.s32 @!p1 s13, s14  }
0x17: {  	s14 =	sshrl.u32 @!p1 s15, $0xD;
	s13 =	sadd.s32 @!p1 $0xFFF0BE40, s13  }
0x18: {  	s15 =	sxor.u32 @!p1 $0xFFFFFFFF, s10;
	s14 =	smul.u32 @!p1 $0xF4240, s14;
	s16 =	sshll.u32 @!p1 s13, $0x8  }
0x19: {  	s15 =	sshll.u32 @!p1 s15, $0xD;
	p2 =	sgt.s32 @!p1 s13, $0x7F;
	s13 =	ssub.s32 @!p1 $0x8000, s16  }
0x1a: {  	s12 =	ssub.s32 @!p1 s12, s14;
	p2 =	por !p2, p1;
	s14 =	sand.u32 @!p1 $0x2000, s15  }
0x1b: {  	s15 =	simm.s32 @!p1 $0x40;
	s13 =	sshrl.u32 @!p1 s13, $0x2;
	s12 =	sshll.u32 @!p1 s12, $0x4  }
0x1c: {  	s16 =	simm.s32 @!p1 $0x80;
	s13 =	simm.s32 @!p2 $0x0;
	s12 =	sadd.s32 @!p1 s4, s12  }
0x1d: {  	[tilespmem:s14], [sflag:$0x1] =	stream.strided.gather @!p1 [hbm4b:s12+s15], s13, s16, s15, $0x38;
	[tilespmem:$0x8080] =	vst v63  }
0x1e: {  	p1 =	seq.s32 s10, $0x0  }
0x1f: {  	p2 =	sge.u32 @!p1 s10, s7  }
0x20: {  	p1 =	por p1, p2  }
.Ltmp2:
0x21: {  	_ = 	snop;
	(pc) =	sbr.rel @p1 .LBB1_5-.Ltmp2, $1  }
0x22: {  	_ =	sdelay $0x3  }
0x23: {  	p1 =	sgt.s32 s11, $0xF41C0;
	s12 =	smov.u32 s11;
	s13 =	sshra.s32 s11, $0x1F  }
0x24: {  	s12 =	simm.s32 @!p1 $0xF41C0;
	s13 =	sand.u32 s13, s11  }
0x25: {  	s12 =	ssub.s32 s12, s13  }
0x26: {  	s12 =	sadd.s32 $0xFFF0BE40, s12  }
0x27: {  	s28 =	sshll.u32 s12, $0x8  }
0x28: {  	s13 =	ssub.s32 $0x8000, s28  }
0x29: {  	p1 =	sgt.s32 s12, $0x7F;
	s12 =	sshrl.u32 s13, $0x2  }
0x2a: {  	s13 =	simm.s32 $0x1;
	s12 =	simm.s32 @p1 $0x0  }
0x2b: {  	s13 =	simm.s32 @!p0 $0x0;
	_ =	swait.ge [sflag:s5], s12  }
0x2c: {  	s14 =	sshll.u32 s13, $0xD;
	s12 =	ssub.s32 $0x0, s12;
	[sflag:s5] =	ssyncset.done $0x0  }
0x2d: {  	s16 =	sor.u32 $0x20, s14;
	[sflag:s5] =	ssyncadd.s32 s12  }
0x2e: {  	s29 =	smul.u32 $0x8100, s13;
	v3 =	vld [tilespmem:s16+$0x10]  }
0x2f: {  	s30 =	sand.u32 $0x1, s10;
	v2 =	vld [tilespmem:s16+$0xFFFFFFF0]  }
0x30: {  	s13 =	smul.u32 $0x8100, s30;
	s12 =	sshrl.u32 s29, $0x2;
	v0 =	vld [tilespmem:s16+$0x0]  }
0x31: {  	s14 =	sor.u32 $0x4000, s12;
	v1 =	vld [tilespmem:s16+$0xFFFFFFE0]  }
0x32: {  	s31 =	sshrl.u32 s13, $0x2;
	s13 =	sadd.s32 $0x0, s14  }
0x33: {  	s15 =	simm.s32 $0x4;
	s12 =	sor.u32 $0x4000, s31;
	s16 =	sadd.s32 $0x40, s16;
	[tilespmem:s13+$0x1830 ss:$0x81] =	vst.msk $0xffff, v3  }
.LBB1_3:
0x34: {  	v3 =	vld [tilespmem:s16+$0x10];
	p1 =	sne.s32 s15, $0x1FC;
	[tilespmem:s13+$0x810 ss:$0x81] =	vst.msk $0xffff, v2;
	s17 =	smov.u32 s15;
	s15 =	sadd.s32 $0x4, s15  }
.Ltmp3:
0x35: {  	v2 =	vld [tilespmem:s16+$0xFFFFFFF0];
	[tilespmem:s13+$0x1020 ss:$0x81] =	vst.msk $0xffff, v0;
	(pc) =	sbr.rel @p1 .LBB1_3-.Ltmp3, $4  }
0x36: {  	v0 =	vld [tilespmem:s16+$0x0];
	[tilespmem:s13+$0x0 ss:$0x81] =	vst.msk $0xffff, v1  }
0x37: {  	s13 =	sshra.s32 s17, $0x2;
	v1 =	vld [tilespmem:s16+$0xFFFFFFE0]  }
0x38: {  	s13 =	sadd.s32 s13, s14  }
0x39: {  	s16 =	sadd.s32 $0x40, s16;
	[tilespmem:s13+$0x1830 ss:$0x81] =	vst.msk $0xffff, v3  }
0x3a: {  	s14 =	sshll.u32 s11, $0x3  }
0x3b: {  	s30 =	sand.u32 $0x7F, s11;
	s14 =	sand.u32 $0xFFFFFC00, s14  }
0x3c: {  	s11 =	sor.u32 s30, s14  }
0x3d: {  	s15 =	smulhi.u32 $0x218D6287, s11;
	_ =	sdelay $0x1  }
0x3e: {  	s14 =	smulhi.u32 $0x218D6287, s14;
	s15 =	sshrl.u32 s15, $0x11  }
0x3f: {  	s15 =	smul.u32 $0xF4280, s15  }
0x40: {  	s14 =	sshrl.u32 s14, $0x11  }
.Ltmp4:
0x41: {  	s14 =	sand.u32 $0x3F, s14;
	s11 =	ssub.s32 s11, s15;
	(pc) =	sbr.rel .LBB1_5-.Ltmp4, $4  }
0x42: {  	[tilespmem:s13+$0x810 ss:$0x81] =	vst.msk $0xffff, v2;
	s14 =	smul.u32 $0x1E850, s14;
	s15 =	sshrl.u32 s11, $0x3;
	s11 =	sand.u32 $0x7, s11  }
0x43: {  	[tilespmem:s13+$0x1020 ss:$0x81] =	vst.msk $0xffff, v0;
	s15 =	sadd.s32 s2, s15;
	s11 =	sshll.u32 s11, $0x12  }
0x44: {  	[tilespmem:s13+$0x0 ss:$0x81] =	vst.msk $0xffff, v1;
	s31 =	sadd.s32 s14, s15;
	s11 =	sor.u32 $0x400, s11  }
0x45: {  	[hbm4b:s31+s11] =	stream.strided.scatter [tilespmem:s12], [sflag:$0x2], $0x2000, s8, s11, $0x20;
	[tilespmem:$0x8080] =	vst v63  }
.LBB1_6:
0x46: {  	_ =	sfence.sel $0x180000  }
0x47: {  	s2 =	simm.s32 $0x1;
	[bflag:$0x0] =	sbarrier.arrive $0xFFFF  }
0x48: {  	s31 =	simm.s32 $0x2;
	[sflag:s2] =	ssyncpa.u1 $0x1  }
0x49: {  	[sflag:s31] =	ssyncpa.u1 $0x1  }
0x4a: {  	p0 =	sne.s32 s1, $0x0;
	_ =	strace $0x9000004A  }
0x4b: {  	s0 =	sadd.s32 @!p0 $0x100000, s0;
	[bflag:$0x2] =	sbarrier.arrive $0xFFFF  }
0x4c: {  	[sflag:s0] =	ssyncadd.tile.s32 @!p0 $0x1;
	_ =	shalt  }
.Lfunc_end1:
_tile_overlayer_lowered:
.L_overlay_start_2:
0x4d: {  	(tag) =	ssettag $0x2  }
0x4e: {  	s0 =	rddreg [dreg:$0x0];
	s2 =	stileid.u32  }
0x4f: {  	s1 =	rddreg [dreg:$0x1];
	p0 =	sne.s32 s2, $0x0  }
0x50: {  	s3 =	rddreg [dreg:$0x2];
	[bflag:$0x3] =	sbarrier.arrive $0xFFFF;
	s2 =	simm.s32 @!p0 $0x1C01  }
0x51: {  	[timem:s3], [sflag:s2] =	dma.local @!p0 [hbm:s0], s1  }
0x52: {  	s0 =	simm.s32 @!p0 $0x1  }
0x53: {  	_ =	swait.ge @!p0 [sflag:s0], s1  }
0x54: {  	s1 =	ssub.s32 @!p0 $0x0, s1;
	[sflag:s0] =	ssyncset.done @!p0 $0x0  }
0x55: {  	[sflag:s0] =	ssyncadd.s32 @!p0 s1  }
0x56: {  	[bflag:$0x3] =	sbarrier.arrive $0xFFFF  }
0x57: {  	_ =	shalt  }

</sc_bundles>
